<compile_context>
chip_gen: v7x
topology: tpu7x:2x2x1
jax: 0.10.2.dev20260603
libtpu: 0.0.44.dev20260713+nightly
codegen_flags: <defaults>
</compile_context>

<pallas_src>
import functools

import jax
import jax.numpy as jnp
from jax import lax
from jax.experimental import pallas as pl
from jax.experimental.pallas import tpu as pltpu
from jax.experimental.pallas import tpu_sc as plsc

N_ITEM = 6000
N_USER = 4000
N = N_ITEM + N_USER
E = 320000
D = 128

NC = 2
NS = 16
NW = NC * NS

RB = 400
NP = 10112
NBLK = -(-NP // RB)
ITEM_BLKS = N_ITEM // RB
HR = NP // 128

K = 128
EPT = 10240
E_PAD = NW * EPT
CHUNKS = EPT // K
NSLOT = 2
CH0 = 114
CH1 = 2 * CHUNKS - CH0
RPT = NP // NS

_mesh = plsc.VectorSubcoreMesh(core_axis_name="c", subcore_axis_name="s")



@functools.partial(
    pl.kernel,
    out_type=jax.ShapeDtypeStruct((2, NW, HR, 128), jnp.float32),
    mesh=_mesh,
    scratch_types=[
        pltpu.VMEM((1024,), jnp.int32),
        pltpu.VMEM((HR, 128), jnp.float32),
        pltpu.VMEM((HR, 128), jnp.float32),
    ],
    compiler_params=pltpu.CompilerParams(needs_layout_passes=False),
)
def _degrees_sc(src_hbm, dst_hbm, out_hbm, ebuf, hs, hd):
    c = lax.axis_index("c")
    s = lax.axis_index("s")
    wid = c * NS + s
    base = wid * EPT

    zero16 = jnp.zeros((16,), jnp.float32)
    one16 = jnp.ones((16,), jnp.float32)

    def zbody(j, _):
        hs[j // 8, pl.ds((j % 8) * 16, 16)] = zero16
        hd[j // 8, pl.ds((j % 8) * 16, 16)] = zero16
        return _

    lax.fori_loop(0, HR * 8, zbody, 0)

    def run(idx_hbm, hist):
        def cbody(ci, _):
            pltpu.sync_copy(idx_hbm.at[pl.ds(base + ci * 1024, 1024)], ebuf)

            def ibody(j, _):
                idx = ebuf[pl.ds(j * 16, 16)]
                plsc.addupdate_scatter(
                    hist,
                    [lax.shift_right_logical(idx, 7),
                     lax.bitwise_and(idx, 127)],
                    one16,
                )
                return _

            lax.fori_loop(0, 64, ibody, 0)
            return _

        lax.fori_loop(0, EPT // 1024, cbody, 0)

    run(src_hbm, hs)
    run(dst_hbm, hd)
    pltpu.sync_copy(hs, out_hbm.at[0, wid])
    pltpu.sync_copy(hd, out_hbm.at[1, wid])


@functools.partial(
    pl.kernel,
    out_type=jax.ShapeDtypeStruct((NC, NP, D), jnp.float32),
    mesh=_mesh,
    scratch_types=(
        [pltpu.VMEM((K,), jnp.int32) for _ in range(2 * NSLOT)]
        + [pltpu.VMEM((K, D), jnp.float32) for _ in range(NSLOT)]
        + [pltpu.VMEM_SHARED((NP, D), jnp.float32)]
        + [pltpu.SemaphoreType.DMA for _ in range(NSLOT)]
    ),
    compiler_params=pltpu.CompilerParams(needs_layout_passes=False),
)
def _edge_agg_sc(h_hbm, src_hbm, dst_hbm, zeros_hbm, out_hbm, *sc):
    sidx = sc[0:NSLOT]
    didx = sc[NSLOT:2 * NSLOT]
    buf = sc[2 * NSLOT:3 * NSLOT]
    accum = sc[3 * NSLOT]
    sem = sc[3 * NSLOT + 1:]
    c = lax.axis_index("c")
    s = lax.axis_index("s")
    r0 = s * RPT

    base = jnp.where(c == 0, s * (CH0 * K), NS * (CH0 * K) + s * (CH1 * K))
    nch = jnp.where(c == 0, CH0, CH1)

    pltpu.sync_copy(zeros_hbm, accum.at[pl.ds(r0, RPT)])
    plsc.subcore_barrier()

    for b in range(NSLOT):
        pltpu.sync_copy(src_hbm.at[pl.ds(base + b * K, K)], sidx[b])
        pltpu.sync_copy(dst_hbm.at[pl.ds(base + b * K, K)], didx[b])
        pltpu.async_copy(h_hbm.at[sidx[b]], buf[b], sem[b])

    def slot(ci, b):
        pltpu.make_async_copy(h_hbm.at[sidx[b]], buf[b], sem[b]).wait()
        pltpu.sync_copy(buf[b], accum.at[didx[b]], add=True)

        @pl.when(ci + NSLOT < nch)
        def _start_next():
            off = base + (ci + NSLOT) * K
            pltpu.sync_copy(src_hbm.at[pl.ds(off, K)], sidx[b])
            pltpu.sync_copy(dst_hbm.at[pl.ds(off, K)], didx[b])
            pltpu.async_copy(h_hbm.at[sidx[b]], buf[b], sem[b])

    def cbody(i, _):
        c0 = i * NSLOT
        for b in range(NSLOT):
            slot(c0 + b, b)
        return _

    lax.fori_loop(0, nch // NSLOT, cbody, 0)
    plsc.subcore_barrier()
    pltpu.sync_copy(accum.at[pl.ds(r0, RPT)], out_hbm.at[c, pl.ds(r0, RPT)])



def _proj_body(x_ref, w_ref, b_ref, o_ref):
    o_ref[...] = (
        jnp.dot(x_ref[...], w_ref[0], preferred_element_type=jnp.float32)
        + b_ref[0, 0]
    )


def _proj(x_pad, w_stack, b_stack):
    return pl.pallas_call(
        _proj_body,
        grid=(NBLK,),
        in_specs=[
            pl.BlockSpec((RB, D), lambda i: (i, 0)),
            pl.BlockSpec((1, D, D), lambda i: (i // ITEM_BLKS, 0, 0)),
            pl.BlockSpec((1, 1, D), lambda i: (i // ITEM_BLKS, 0, 0)),
        ],
        out_specs=pl.BlockSpec((RB, D), lambda i: (i, 0)),
        out_shape=jax.ShapeDtypeStruct((NP, D), jnp.float32),
    )(x_pad, w_stack, b_stack)


def _norms_body(degp_ref, o_ref):
    deg = jnp.sum(degp_ref[...], axis=1)
    o_ref[...] = lax.rsqrt(jnp.maximum(deg, 1.0)).T


def _norms(deg_partials):
    return pl.pallas_call(
        _norms_body,
        out_shape=jax.ShapeDtypeStruct((NP, 2), jnp.float32),
    )(deg_partials)


def _conv_in_body(x_ref, w_ref, nrm_ref, o_ref):
    h = jnp.dot(x_ref[...], w_ref[...], preferred_element_type=jnp.float32)
    o_ref[...] = h * nrm_ref[:, 0:1]


def _conv_in(x, w, norms):
    return pl.pallas_call(
        _conv_in_body,
        grid=(NBLK,),
        in_specs=[
            pl.BlockSpec((RB, D), lambda i: (i, 0)),
            pl.BlockSpec((D, D), lambda i: (0, 0)),
            pl.BlockSpec((RB, 2), lambda i: (i, 0)),
        ],
        out_specs=pl.BlockSpec((RB, D), lambda i: (i, 0)),
        out_shape=jax.ShapeDtypeStruct((NP, D), jnp.float32),
    )(x, w, norms)


def _conv_mid_body(agg_ref, nrm_ref, b_ref, w_ref, o_ref):
    t = (agg_ref[0] + agg_ref[1]) * nrm_ref[:, 1:2] + b_ref[...]
    h = jnp.dot(t, w_ref[...], preferred_element_type=jnp.float32)
    o_ref[...] = h * nrm_ref[:, 0:1]


def _conv_mid(agg, norms, b_prev, w_next):
    return pl.pallas_call(
        _conv_mid_body,
        grid=(NBLK,),
        in_specs=[
            pl.BlockSpec((NC, RB, D), lambda i: (0, i, 0)),
            pl.BlockSpec((RB, 2), lambda i: (i, 0)),
            pl.BlockSpec((1, D), lambda i: (0, 0)),
            pl.BlockSpec((D, D), lambda i: (0, 0)),
        ],
        out_specs=pl.BlockSpec((RB, D), lambda i: (i, 0)),
        out_shape=jax.ShapeDtypeStruct((NP, D), jnp.float32),
    )(agg, norms, b_prev, w_next)


def _dec_body(agg_ref, nrm_ref, bc_ref, w1_ref, b1_ref, w2_ref, b2_ref,
              w3_ref, b3_ref, wo_ref, bo_ref, o_ref):
    t = (agg_ref[0] + agg_ref[1]) * nrm_ref[:, 1:2] + bc_ref[...]
    d = jax.nn.relu(jnp.dot(t, w1_ref[...],
                            preferred_element_type=jnp.float32) + b1_ref[...])
    d = jax.nn.relu(jnp.dot(d, w2_ref[...],
                            preferred_element_type=jnp.float32) + b2_ref[...])
    d = jax.nn.relu(jnp.dot(d, w3_ref[...],
                            preferred_element_type=jnp.float32) + b3_ref[...])
    o = jnp.dot(d, wo_ref[0], preferred_element_type=jnp.float32) + bo_ref[0, 0]
    o_ref[...] = jax.nn.sigmoid(o)


def _decoder(agg, norms, conv_b, w1, b1, w2, b2, w3, b3, wo_stack, bo_stack):
    return pl.pallas_call(
        _dec_body,
        grid=(NBLK,),
        in_specs=[
            pl.BlockSpec((NC, RB, D), lambda i: (0, i, 0)),
            pl.BlockSpec((RB, 2), lambda i: (i, 0)),
            pl.BlockSpec((1, D), lambda i: (0, 0)),
            pl.BlockSpec((D, 3 * D), lambda i: (0, 0)),
            pl.BlockSpec((1, 3 * D), lambda i: (0, 0)),
            pl.BlockSpec((3 * D, 2 * D), lambda i: (0, 0)),
            pl.BlockSpec((1, 2 * D), lambda i: (0, 0)),
            pl.BlockSpec((2 * D, D), lambda i: (0, 0)),
            pl.BlockSpec((1, D), lambda i: (0, 0)),
            pl.BlockSpec((1, D, D), lambda i: (i // ITEM_BLKS, 0, 0)),
            pl.BlockSpec((1, 1, D), lambda i: (i // ITEM_BLKS, 0, 0)),
        ],
        out_specs=pl.BlockSpec((RB, D), lambda i: (i, 0)),
        out_shape=jax.ShapeDtypeStruct((NP, D), jnp.float32),
    )(agg, norms, conv_b, w1, b1, w2, b2, w3, b3, wo_stack, bo_stack)



def kernel(x_item, x_user, edge_index,
           W_in_item, b_in_item, W_in_user, b_in_user,
           conv0_W, conv0_b, conv1_W, conv1_b,
           mlp_W1, mlp_b1, mlp_W2, mlp_b2, mlp_W3, mlp_b3,
           W_out_item, b_out_item, W_out_user, b_out_user):
    f32 = jnp.float32

    x_cat = jnp.concatenate([x_item, x_user], axis=0)
    x_pad = jnp.pad(x_cat, ((0, NP - N), (0, 0)))

    pad_idx = jnp.full((E_PAD - E,), N, dtype=jnp.int32)
    src = jnp.concatenate([edge_index[0], pad_idx])
    dst = jnp.concatenate([edge_index[1], pad_idx])

    w_in = jnp.stack([W_in_item, W_in_user])
    b_in = jnp.stack([b_in_item, b_in_user]).reshape(2, 1, D)
    w_out = jnp.stack([W_out_item, W_out_user])
    b_out = jnp.stack([b_out_item, b_out_user]).reshape(2, 1, D)
    zeros_tile = jnp.zeros((RPT, D), f32)

    deg_partials = _degrees_sc(src, dst)
    norms = _norms(deg_partials.reshape(2, NW, NP))

    x_proj = _proj(x_pad, w_in, b_in)

    h0 = _conv_in(x_proj, conv0_W, norms)
    agg0 = _edge_agg_sc(h0, src, dst, zeros_tile)

    h1 = _conv_mid(agg0, norms, conv0_b.reshape(1, D), conv1_W)
    agg1 = _edge_agg_sc(h1, src, dst, zeros_tile)

    out = _decoder(agg1, norms, conv1_b.reshape(1, D),
                   mlp_W1, mlp_b1.reshape(1, 3 * D),
                   mlp_W2, mlp_b2.reshape(1, 2 * D),
                   mlp_W3, mlp_b3.reshape(1, D),
                   w_out, b_out)

    return (out[:N_ITEM], out[N_ITEM:N])

# --- scband reference (transcript-rebuilt; emitter-appended) ---
"""Pipeline reference for scband-graph-ae-11862699671794 (READ-ONLY COPY).

The authoritative reference and input builder live on the scoring server;
editing this copy changes nothing except your own understanding.
"""

import jax, jax.numpy as jnp
import numpy as np

N_ITEM = 6000
N_USER = 4000
N = N_ITEM + N_USER
E = 320000
D = 128   # per-ntype node feats
F = 128   # in_feats (projection dim)
H = 128   # hidden_feats


def setup_inputs(seed: int = 0) -> dict:
    key = jax.random.key(seed)
    ks = jax.random.split(key, 24)

    def p(i, shape):
        return jax.random.normal(ks[i], shape, dtype=jnp.float32) * 0.05

    inp = {}
    inp['x_item'] = jax.random.normal(ks[0], (N_ITEM, D), dtype=jnp.float32)
    inp['x_user'] = jax.random.normal(ks[1], (N_USER, D), dtype=jnp.float32)
    inp['edge_index'] = jax.random.randint(ks[2], (2, E), 0, N, dtype=jnp.int32)
    # in_projs (per ntype Linear(D -> F))
    inp['W_in_item'] = p(3, (D, F)); inp['b_in_item'] = p(4, (F,))
    inp['W_in_user'] = p(5, (D, F)); inp['b_in_user'] = p(6, (F,))
    # encoder: 2 x GraphConv (norm='both')
    inp['conv0_W'] = p(7, (F, H)); inp['conv0_b'] = p(8, (H,))
    inp['conv1_W'] = p(9, (H, H)); inp['conv1_b'] = p(10, (H,))
    # decoder MLP: H -> 3F -> 2F -> F, relu between + act_last relu
    inp['mlp_W1'] = p(11, (H, 3 * F)); inp['mlp_b1'] = p(12, (3 * F,))
    inp['mlp_W2'] = p(13, (3 * F, 2 * F)); inp['mlp_b2'] = p(14, (2 * F,))
    inp['mlp_W3'] = p(15, (2 * F, F)); inp['mlp_b3'] = p(16, (F,))
    # out_projs (per ntype Linear(F -> D)) + sigmoid
    inp['W_out_item'] = p(17, (F, D)); inp['b_out_item'] = p(18, (D,))
    inp['W_out_user'] = p(19, (F, D)); inp['b_out_user'] = p(20, (D,))
    return inp


def _graph_conv(x, src, dst, W, b):
    # DGL GraphConv with norm='both':
    # h_i = b + sum_{(j->i) in E} (1/sqrt(deg_out(j) * deg_in(i))) * (x_j @ W)
    h = x @ W
    ones_e = jnp.ones((src.shape[0],), dtype=x.dtype)
    deg_out = jax.ops.segment_sum(ones_e, src, num_segments=N)
    deg_in = jax.ops.segment_sum(ones_e, dst, num_segments=N)
    norm_src = (1.0 / jnp.sqrt(jnp.clip(deg_out, 1.0)))[:, None]
    norm_dst = (1.0 / jnp.sqrt(jnp.clip(deg_in, 1.0)))[:, None]
    h = h * norm_src
    agg = jax.ops.segment_sum(h[src], dst, num_segments=N)
    return agg * norm_dst + b


def reference(x_item, x_user, edge_index,
              W_in_item, b_in_item, W_in_user, b_in_user,
              conv0_W, conv0_b, conv1_W, conv1_b,
              mlp_W1, mlp_b1, mlp_W2, mlp_b2, mlp_W3, mlp_b3,
              W_out_item, b_out_item, W_out_user, b_out_user):
    src = edge_index[0]
    dst = edge_index[1]
    # per-ntype input projections, concat in sorted ntype order ('item','user')
    x_proj = jnp.concatenate([
        x_item @ W_in_item + b_in_item,
        x_user @ W_in_user + b_in_user,
    ], axis=0)
    # GraphEncoder: 2 GraphConv layers (no nonlinearity between, just view)
    h = _graph_conv(x_proj, src, dst, conv0_W, conv0_b)
    h = _graph_conv(h, src, dst, conv1_W, conv1_b)
    # decoder MLP with act_last=True
    d = jax.nn.relu(h @ mlp_W1 + mlp_b1)
    d = jax.nn.relu(d @ mlp_W2 + mlp_b2)
    d = jax.nn.relu(d @ mlp_W3 + mlp_b3)
    # split by ntype and out-project + sigmoid
    out_item = jax.nn.sigmoid(d[:N_ITEM] @ W_out_item + b_out_item)
    out_user = jax.nn.sigmoid(d[N_ITEM:] @ W_out_user + b_out_user)
    return (out_item, out_user)

if __name__ == "__main__":
    import jax
    _d = setup_inputs()
    print(jax.jit(kernel)(*tuple(_d.values())))

</pallas_src>

<mosaic_0001>
#map = affine_map<(d0, d1) -> (0, 0)>
#map1 = affine_map<(d0, d1) -> (0)>
#map2 = affine_map<(d0, d1) -> (0, 0, 0)>
module attributes {stable_mosaic.version = 14 : i64} {
  func.func @_edge_agg_sc(%arg0: i32, %arg1: i32, %arg2: memref<10112x128xf32, #tpu.memory_space<hbm>>, %arg3: memref<327680xi32, #tpu.memory_space<hbm>>, %arg4: memref<327680xi32, #tpu.memory_space<hbm>>, %arg5: memref<632x128xf32, #tpu.memory_space<hbm>>, %arg6: memref<2x10112x128xf32, #tpu.memory_space<hbm>>, %arg7: memref<128xi32, #tpu.memory_space<vmem>>, %arg8: memref<128xi32, #tpu.memory_space<vmem>>, %arg9: memref<128xi32, #tpu.memory_space<vmem>>, %arg10: memref<128xi32, #tpu.memory_space<vmem>>, %arg11: memref<128x128xf32, #tpu.memory_space<vmem>>, %arg12: memref<128x128xf32, #tpu.memory_space<vmem>>, %arg13: memref<10112x128xf32, #tpu.memory_space<vmem_shared>>, %arg14: memref<!tpu.dma_semaphore, #tpu.memory_space<semaphore_mem>>, %arg15: memref<!tpu.dma_semaphore, #tpu.memory_space<semaphore_mem>>) attributes {dimension_semantics = [#tpu.dimension_semantics<core_parallel>, #tpu.dimension_semantics<subcore_parallel>], iteration_bounds = array<i64: 2, 16>, scalar_prefetch = 0 : i64, scratch_operands = 9 : i64, tpu.core_type = #tpu.core_type<sc_vector_subcore>, window_params = [{transform_indices = #map}, {transform_indices = #map1}, {transform_indices = #map1}, {transform_indices = #map}, {transform_indices = #map2}]} {
    %mul3A = arith.constant 632 : i32
    %mul3A_0 = arith.muli %arg1, %mul3A : i32
    %eq3A = arith.constant 0 : i32
    %eq3A_1 = arith.cmpi eq, %arg0, %eq3A : i32
    %mul3A_2 = arith.constant 14592 : i32
    %mul3A_3 = arith.muli %arg1, %mul3A_2 : i32
    %mul3A_4 = arith.constant 5888 : i32
    %mul3A_5 = arith.muli %arg1, %mul3A_4 : i32
    %add3A = arith.constant 233472 : i32
    %add3A_6 = arith.addi %add3A, %mul3A_5 : i32
    %select_n3A = arith.select %eq3A_1, %mul3A_3, %add3A_6 : i32
    %eq3A_7 = arith.constant 0 : i32
    %eq3A_8 = arith.cmpi eq, %arg0, %eq3A_7 : i32
    %jit3A = arith.constant 114 : i32
    %jit3A_9 = arith.constant 46 : i32
    %select_n3A_10 = arith.select %eq3A_8, %jit3A, %jit3A_9 : i32
    "tpu.region"() ({
      %run_scoped3A = tpu.sem_alloc : memref<!tpu.dma_semaphore, #tpu.memory_space<semaphore_mem>>
      %dma_start3A_52 = arith.constant 0 : i32
      %dma_start3A_53 = tpu.memref_slice %arg13[%mul3A_0, %dma_start3A_52] : memref<10112x128xf32, #tpu.memory_space<vmem_shared>> -> memref<632x128xf32, #tpu.memory_space<vmem_shared>>
      tpu.enqueue_dma source(%arg5 : memref<632x128xf32, #tpu.memory_space<hbm>>) target(%dma_start3A_53 : memref<632x128xf32, #tpu.memory_space<vmem_shared>>) target_semaphore(%run_scoped3A : memref<!tpu.dma_semaphore, #tpu.memory_space<semaphore_mem>>)
      %dma_wait3A = arith.constant 0 : i32
      %dma_wait3A_54 = tpu.memref_slice %arg13[%mul3A_0, %dma_wait3A] : memref<10112x128xf32, #tpu.memory_space<vmem_shared>> -> memref<632x128xf32, #tpu.memory_space<vmem_shared>>
      tpu.wait_dma2 semaphore(%run_scoped3A : memref<!tpu.dma_semaphore, #tpu.memory_space<semaphore_mem>>) src(%arg5 : memref<632x128xf32, #tpu.memory_space<hbm>>) dst(%dma_wait3A_54 : memref<632x128xf32, #tpu.memory_space<vmem_shared>>)
      tpu.yield
    }) : () -> ()
    %barrier3A = arith.constant 0 : index
    tpu.barrier barrier_id(%barrier3A)
    %add3A_11 = arith.constant 0 : i32
    %add3A_12 = arith.addi %select_n3A, %add3A_11 : i32
    "tpu.region"() ({
      %run_scoped3A = tpu.sem_alloc : memref<!tpu.dma_semaphore, #tpu.memory_space<semaphore_mem>>
      %dma_start3A_52 = tpu.memref_slice %arg3[%add3A_12] : memref<327680xi32, #tpu.memory_space<hbm>> -> memref<128xi32, #tpu.memory_space<hbm>>
      %dma_start3A_53 = tpu.memref_slice %arg3[%add3A_12] : memref<327680xi32, #tpu.memory_space<hbm>> -> memref<128xi32, #tpu.memory_space<hbm>>
      tpu.enqueue_dma source(%dma_start3A_53 : memref<128xi32, #tpu.memory_space<hbm>>) target(%arg7 : memref<128xi32, #tpu.memory_space<vmem>>) target_semaphore(%run_scoped3A : memref<!tpu.dma_semaphore, #tpu.memory_space<semaphore_mem>>)
      %dma_wait3A = tpu.memref_slice %arg3[%add3A_12] : memref<327680xi32, #tpu.memory_space<hbm>> -> memref<128xi32, #tpu.memory_space<hbm>>
      %dma_wait3A_54 = tpu.memref_slice %arg3[%add3A_12] : memref<327680xi32, #tpu.memory_space<hbm>> -> memref<128xi32, #tpu.memory_space<hbm>>
      tpu.wait_dma2 semaphore(%run_scoped3A : memref<!tpu.dma_semaphore, #tpu.memory_space<semaphore_mem>>) src(%dma_wait3A_54 : memref<128xi32, #tpu.memory_space<hbm>>) dst(%arg7 : memref<128xi32, #tpu.memory_space<vmem>>)
      tpu.yield
    }) : () -> ()
    %add3A_13 = arith.constant 0 : i32
    %add3A_14 = arith.addi %select_n3A, %add3A_13 : i32
    "tpu.region"() ({
      %run_scoped3A = tpu.sem_alloc : memref<!tpu.dma_semaphore, #tpu.memory_space<semaphore_mem>>
      %dma_start3A_52 = tpu.memref_slice %arg4[%add3A_14] : memref<327680xi32, #tpu.memory_space<hbm>> -> memref<128xi32, #tpu.memory_space<hbm>>
      %dma_start3A_53 = tpu.memref_slice %arg4[%add3A_14] : memref<327680xi32, #tpu.memory_space<hbm>> -> memref<128xi32, #tpu.memory_space<hbm>>
      tpu.enqueue_dma source(%dma_start3A_53 : memref<128xi32, #tpu.memory_space<hbm>>) target(%arg9 : memref<128xi32, #tpu.memory_space<vmem>>) target_semaphore(%run_scoped3A : memref<!tpu.dma_semaphore, #tpu.memory_space<semaphore_mem>>)
      %dma_wait3A = tpu.memref_slice %arg4[%add3A_14] : memref<327680xi32, #tpu.memory_space<hbm>> -> memref<128xi32, #tpu.memory_space<hbm>>
      %dma_wait3A_54 = tpu.memref_slice %arg4[%add3A_14] : memref<327680xi32, #tpu.memory_space<hbm>> -> memref<128xi32, #tpu.memory_space<hbm>>
      tpu.wait_dma2 semaphore(%run_scoped3A : memref<!tpu.dma_semaphore, #tpu.memory_space<semaphore_mem>>) src(%dma_wait3A_54 : memref<128xi32, #tpu.memory_space<hbm>>) dst(%arg9 : memref<128xi32, #tpu.memory_space<vmem>>)
      tpu.yield
    }) : () -> ()
    %dma_start3A = arith.constant 0 : i32
    %dma_start3A_15 = arith.constant 0 : i32
    %dma_start3A_16 = tpu.memref_slice %arg2[%dma_start3A, %dma_start3A_15] : memref<10112x128xf32, #tpu.memory_space<hbm>> -> memref<10112x128xf32, #tpu.memory_space<hbm>>
    tpu.enqueue_indirect_dma source(%dma_start3A_16 : memref<10112x128xf32, #tpu.memory_space<hbm>>) target(%arg11 : memref<128x128xf32, #tpu.memory_space<vmem>>) offsets(%arg7 : memref<128xi32, #tpu.memory_space<vmem>>) semaphore(%arg14 : memref<!tpu.dma_semaphore, #tpu.memory_space<semaphore_mem>>)
    %add3A_17 = arith.constant 128 : i32
    %add3A_18 = arith.addi %select_n3A, %add3A_17 : i32
    "tpu.region"() ({
      %run_scoped3A = tpu.sem_alloc : memref<!tpu.dma_semaphore, #tpu.memory_space<semaphore_mem>>
      %dma_start3A_52 = tpu.memref_slice %arg3[%add3A_18] : memref<327680xi32, #tpu.memory_space<hbm>> -> memref<128xi32, #tpu.memory_space<hbm>>
      %dma_start3A_53 = tpu.memref_slice %arg3[%add3A_18] : memref<327680xi32, #tpu.memory_space<hbm>> -> memref<128xi32, #tpu.memory_space<hbm>>
      tpu.enqueue_dma source(%dma_start3A_53 : memref<128xi32, #tpu.memory_space<hbm>>) target(%arg8 : memref<128xi32, #tpu.memory_space<vmem>>) target_semaphore(%run_scoped3A : memref<!tpu.dma_semaphore, #tpu.memory_space<semaphore_mem>>)
      %dma_wait3A = tpu.memref_slice %arg3[%add3A_18] : memref<327680xi32, #tpu.memory_space<hbm>> -> memref<128xi32, #tpu.memory_space<hbm>>
      %dma_wait3A_54 = tpu.memref_slice %arg3[%add3A_18] : memref<327680xi32, #tpu.memory_space<hbm>> -> memref<128xi32, #tpu.memory_space<hbm>>
      tpu.wait_dma2 semaphore(%run_scoped3A : memref<!tpu.dma_semaphore, #tpu.memory_space<semaphore_mem>>) src(%dma_wait3A_54 : memref<128xi32, #tpu.memory_space<hbm>>) dst(%arg8 : memref<128xi32, #tpu.memory_space<vmem>>)
      tpu.yield
    }) : () -> ()
    %add3A_19 = arith.constant 128 : i32
    %add3A_20 = arith.addi %select_n3A, %add3A_19 : i32
    "tpu.region"() ({
      %run_scoped3A = tpu.sem_alloc : memref<!tpu.dma_semaphore, #tpu.memory_space<semaphore_mem>>
      %dma_start3A_52 = tpu.memref_slice %arg4[%add3A_20] : memref<327680xi32, #tpu.memory_space<hbm>> -> memref<128xi32, #tpu.memory_space<hbm>>
      %dma_start3A_53 = tpu.memref_slice %arg4[%add3A_20] : memref<327680xi32, #tpu.memory_space<hbm>> -> memref<128xi32, #tpu.memory_space<hbm>>
      tpu.enqueue_dma source(%dma_start3A_53 : memref<128xi32, #tpu.memory_space<hbm>>) target(%arg10 : memref<128xi32, #tpu.memory_space<vmem>>) target_semaphore(%run_scoped3A : memref<!tpu.dma_semaphore, #tpu.memory_space<semaphore_mem>>)
      %dma_wait3A = tpu.memref_slice %arg4[%add3A_20] : memref<327680xi32, #tpu.memory_space<hbm>> -> memref<128xi32, #tpu.memory_space<hbm>>
      %dma_wait3A_54 = tpu.memref_slice %arg4[%add3A_20] : memref<327680xi32, #tpu.memory_space<hbm>> -> memref<128xi32, #tpu.memory_space<hbm>>
      tpu.wait_dma2 semaphore(%run_scoped3A : memref<!tpu.dma_semaphore, #tpu.memory_space<semaphore_mem>>) src(%dma_wait3A_54 : memref<128xi32, #tpu.memory_space<hbm>>) dst(%arg10 : memref<128xi32, #tpu.memory_space<vmem>>)
      tpu.yield
    }) : () -> ()
    %dma_start3A_21 = arith.constant 0 : i32
    %dma_start3A_22 = arith.constant 0 : i32
    %dma_start3A_23 = tpu.memref_slice %arg2[%dma_start3A_21, %dma_start3A_22] : memref<10112x128xf32, #tpu.memory_space<hbm>> -> memref<10112x128xf32, #tpu.memory_space<hbm>>
    tpu.enqueue_indirect_dma source(%dma_start3A_23 : memref<10112x128xf32, #tpu.memory_space<hbm>>) target(%arg12 : memref<128x128xf32, #tpu.memory_space<vmem>>) offsets(%arg8 : memref<128xi32, #tpu.memory_space<vmem>>) semaphore(%arg15 : memref<!tpu.dma_semaphore, #tpu.memory_space<semaphore_mem>>)
    %jit3A_24 = arith.constant 2 : i32
    %div3A = arith.divsi %select_n3A_10, %jit3A_24 : i32
    %sign3A = arith.constant 0 : i32
    %sign3A_25 = arith.cmpi sgt, %select_n3A_10, %sign3A : i32
    %sign3A_26 = arith.extui %sign3A_25 : i1 to i32
    %sign3A_27 = arith.constant 0 : i32
    %sign3A_28 = arith.cmpi slt, %select_n3A_10, %sign3A_27 : i32
    %sign3A_29 = arith.extui %sign3A_28 : i1 to i32
    %sign3A_30 = arith.subi %sign3A_26, %sign3A_29 : i32
    %sign3A_31 = arith.constant 0 : i32
    %sign3A_32 = arith.cmpi sgt, %jit3A_24, %sign3A_31 : i32
    %sign3A_33 = arith.extui %sign3A_32 : i1 to i32
    %sign3A_34 = arith.constant 0 : i32
    %sign3A_35 = arith.cmpi slt, %jit3A_24, %sign3A_34 : i32
    %sign3A_36 = arith.extui %sign3A_35 : i1 to i32
    %sign3A_37 = arith.subi %sign3A_33, %sign3A_36 : i32
    %ne3A = arith.cmpi ne, %sign3A_30, %sign3A_37 : i32
    %rem3A = arith.remsi %select_n3A_10, %jit3A_24 : i32
    %ne3A_38 = arith.constant 0 : i32
    %ne3A_39 = arith.cmpi ne, %rem3A, %ne3A_38 : i32
    %and3A = arith.andi %ne3A, %ne3A_39 : i1
    %sub3A = arith.constant 1 : i32
    %sub3A_40 = arith.subi %div3A, %sub3A : i32
    %select_n3A_41 = arith.select %and3A, %sub3A_40, %div3A : i32
    %while3A = arith.constant 0 : i32
    %while3A_42 = arith.constant 0 : i32
    %while3A_43 = arith.subi %select_n3A_41, %while3A_42 : i32
    %while3A_44 = arith.addi %while3A_42, %while3A_43 : i32
    %while3A_45 = arith.constant 1 : i32
    %while3A_46 = arith.divsi %while3A_43, %while3A_45 : i32
    %while3A_47 = arith.muli %while3A_46, %while3A_45 : i32
    %while3A_48 = arith.addi %while3A_42, %while3A_47 : i32
    %while3A_49 = arith.constant 1 : i32
    scf.for %while3A_52 = %while3A_42 to %while3A_48 step %while3A_49  : i32 {
      %mul3A_53 = arith.constant 2 : i32
      %mul3A_54 = arith.muli %while3A_52, %mul3A_53 : i32
      %add3A_55 = arith.constant 0 : i32
      %add3A_56 = arith.addi %mul3A_54, %add3A_55 : i32
      %dma_wait3A = arith.constant 0 : i32
      %dma_wait3A_57 = arith.constant 0 : i32
      %dma_wait3A_58 = tpu.memref_slice %arg2[%dma_wait3A, %dma_wait3A_57] : memref<10112x128xf32, #tpu.memory_space<hbm>> -> memref<10112x128xf32, #tpu.memory_space<hbm>>
      tpu.wait_indirect_dma semaphore(%arg14 : memref<!tpu.dma_semaphore, #tpu.memory_space<semaphore_mem>>) src(%dma_wait3A_58 : memref<10112x128xf32, #tpu.memory_space<hbm>>) dst(%arg11 : memref<128x128xf32, #tpu.memory_space<vmem>>)
      "tpu.region"() ({
        %run_scoped3A = tpu.sem_alloc : memref<!tpu.dma_semaphore, #tpu.memory_space<semaphore_mem>>
        %dma_start3A_73 = arith.constant 0 : i32
        %dma_start3A_74 = arith.constant 0 : i32
        %dma_start3A_75 = tpu.memref_slice %arg13[%dma_start3A_73, %dma_start3A_74] : memref<10112x128xf32, #tpu.memory_space<vmem_shared>> -> memref<10112x128xf32, #tpu.memory_space<vmem_shared>>
        tpu.enqueue_indirect_dma source(%arg11 : memref<128x128xf32, #tpu.memory_space<vmem>>) target(%dma_start3A_75 : memref<10112x128xf32, #tpu.memory_space<vmem_shared>>) offsets(%arg9 : memref<128xi32, #tpu.memory_space<vmem>>) semaphore(%run_scoped3A : memref<!tpu.dma_semaphore, #tpu.memory_space<semaphore_mem>>) {add = true}
        %dma_wait3A_76 = arith.constant 0 : i32
        %dma_wait3A_77 = arith.constant 0 : i32
        %dma_wait3A_78 = tpu.memref_slice %arg13[%dma_wait3A_76, %dma_wait3A_77] : memref<10112x128xf32, #tpu.memory_space<vmem_shared>> -> memref<10112x128xf32, #tpu.memory_space<vmem_shared>>
        tpu.wait_indirect_dma semaphore(%run_scoped3A : memref<!tpu.dma_semaphore, #tpu.memory_space<semaphore_mem>>) src(%arg11 : memref<128x128xf32, #tpu.memory_space<vmem>>) dst(%dma_wait3A_78 : memref<10112x128xf32, #tpu.memory_space<vmem_shared>>)
        tpu.yield
      }) : () -> ()
      %add3A_59 = arith.constant 2 : i32
      %add3A_60 = arith.addi %add3A_56, %add3A_59 : i32
      %lt3A = arith.cmpi slt, %add3A_60, %select_n3A_10 : i32
      %convert_element_type3A = arith.extui %lt3A : i1 to i32
      %cond3A = arith.constant 0 : i32
      %cond3A_61 = arith.cmpi ne, %convert_element_type3A, %cond3A : i32
      scf.if %cond3A_61 {
        %add3A_73 = arith.constant 2 : i32
        %add3A_74 = arith.addi %add3A_56, %add3A_73 : i32
        %mul3A_75 = arith.constant 128 : i32
        %mul3A_76 = arith.muli %add3A_74, %mul3A_75 : i32
        %add3A_77 = arith.addi %select_n3A, %mul3A_76 : i32
        "tpu.region"() ({
          %run_scoped3A = tpu.sem_alloc : memref<!tpu.dma_semaphore, #tpu.memory_space<semaphore_mem>>
          %dma_start3A_81 = tpu.memref_slice %arg3[%add3A_77] : memref<327680xi32, #tpu.memory_space<hbm>> -> memref<128xi32, #tpu.memory_space<hbm>>
          %dma_start3A_82 = tpu.memref_slice %arg3[%add3A_77] : memref<327680xi32, #tpu.memory_space<hbm>> -> memref<128xi32, #tpu.memory_space<hbm>>
          tpu.enqueue_dma source(%dma_start3A_82 : memref<128xi32, #tpu.memory_space<hbm>>) target(%arg7 : memref<128xi32, #tpu.memory_space<vmem>>) target_semaphore(%run_scoped3A : memref<!tpu.dma_semaphore, #tpu.memory_space<semaphore_mem>>)
          %dma_wait3A_83 = tpu.memref_slice %arg3[%add3A_77] : memref<327680xi32, #tpu.memory_space<hbm>> -> memref<128xi32, #tpu.memory_space<hbm>>
          %dma_wait3A_84 = tpu.memref_slice %arg3[%add3A_77] : memref<327680xi32, #tpu.memory_space<hbm>> -> memref<128xi32, #tpu.memory_space<hbm>>
          tpu.wait_dma2 semaphore(%run_scoped3A : memref<!tpu.dma_semaphore, #tpu.memory_space<semaphore_mem>>) src(%dma_wait3A_84 : memref<128xi32, #tpu.memory_space<hbm>>) dst(%arg7 : memref<128xi32, #tpu.memory_space<vmem>>)
          tpu.yield
        }) : () -> ()
        "tpu.region"() ({
          %run_scoped3A = tpu.sem_alloc : memref<!tpu.dma_semaphore, #tpu.memory_space<semaphore_mem>>
          %dma_start3A_81 = tpu.memref_slice %arg4[%add3A_77] : memref<327680xi32, #tpu.memory_space<hbm>> -> memref<128xi32, #tpu.memory_space<hbm>>
          %dma_start3A_82 = tpu.memref_slice %arg4[%add3A_77] : memref<327680xi32, #tpu.memory_space<hbm>> -> memref<128xi32, #tpu.memory_space<hbm>>
          tpu.enqueue_dma source(%dma_start3A_82 : memref<128xi32, #tpu.memory_space<hbm>>) target(%arg9 : memref<128xi32, #tpu.memory_space<vmem>>) target_semaphore(%run_scoped3A : memref<!tpu.dma_semaphore, #tpu.memory_space<semaphore_mem>>)
          %dma_wait3A_83 = tpu.memref_slice %arg4[%add3A_77] : memref<327680xi32, #tpu.memory_space<hbm>> -> memref<128xi32, #tpu.memory_space<hbm>>
          %dma_wait3A_84 = tpu.memref_slice %arg4[%add3A_77] : memref<327680xi32, #tpu.memory_space<hbm>> -> memref<128xi32, #tpu.memory_space<hbm>>
          tpu.wait_dma2 semaphore(%run_scoped3A : memref<!tpu.dma_semaphore, #tpu.memory_space<semaphore_mem>>) src(%dma_wait3A_84 : memref<128xi32, #tpu.memory_space<hbm>>) dst(%arg9 : memref<128xi32, #tpu.memory_space<vmem>>)
          tpu.yield
        }) : () -> ()
        %dma_start3A_78 = arith.constant 0 : i32
        %dma_start3A_79 = arith.constant 0 : i32
        %dma_start3A_80 = tpu.memref_slice %arg2[%dma_start3A_78, %dma_start3A_79] : memref<10112x128xf32, #tpu.memory_space<hbm>> -> memref<10112x128xf32, #tpu.memory_space<hbm>>
        tpu.enqueue_indirect_dma source(%dma_start3A_80 : memref<10112x128xf32, #tpu.memory_space<hbm>>) target(%arg11 : memref<128x128xf32, #tpu.memory_space<vmem>>) offsets(%arg7 : memref<128xi32, #tpu.memory_space<vmem>>) semaphore(%arg14 : memref<!tpu.dma_semaphore, #tpu.memory_space<semaphore_mem>>)
      } else {
      }
      %add3A_62 = arith.constant 1 : i32
      %add3A_63 = arith.addi %mul3A_54, %add3A_62 : i32
      %dma_wait3A_64 = arith.constant 0 : i32
      %dma_wait3A_65 = arith.constant 0 : i32
      %dma_wait3A_66 = tpu.memref_slice %arg2[%dma_wait3A_64, %dma_wait3A_65] : memref<10112x128xf32, #tpu.memory_space<hbm>> -> memref<10112x128xf32, #tpu.memory_space<hbm>>
      tpu.wait_indirect_dma semaphore(%arg15 : memref<!tpu.dma_semaphore, #tpu.memory_space<semaphore_mem>>) src(%dma_wait3A_66 : memref<10112x128xf32, #tpu.memory_space<hbm>>) dst(%arg12 : memref<128x128xf32, #tpu.memory_space<vmem>>)
      "tpu.region"() ({
        %run_scoped3A = tpu.sem_alloc : memref<!tpu.dma_semaphore, #tpu.memory_space<semaphore_mem>>
        %dma_start3A_73 = arith.constant 0 : i32
        %dma_start3A_74 = arith.constant 0 : i32
        %dma_start3A_75 = tpu.memref_slice %arg13[%dma_start3A_73, %dma_start3A_74] : memref<10112x128xf32, #tpu.memory_space<vmem_shared>> -> memref<10112x128xf32, #tpu.memory_space<vmem_shared>>
        tpu.enqueue_indirect_dma source(%arg12 : memref<128x128xf32, #tpu.memory_space<vmem>>) target(%dma_start3A_75 : memref<10112x128xf32, #tpu.memory_space<vmem_shared>>) offsets(%arg10 : memref<128xi32, #tpu.memory_space<vmem>>) semaphore(%run_scoped3A : memref<!tpu.dma_semaphore, #tpu.memory_space<semaphore_mem>>) {add = true}
        %dma_wait3A_76 = arith.constant 0 : i32
        %dma_wait3A_77 = arith.constant 0 : i32
        %dma_wait3A_78 = tpu.memref_slice %arg13[%dma_wait3A_76, %dma_wait3A_77] : memref<10112x128xf32, #tpu.memory_space<vmem_shared>> -> memref<10112x128xf32, #tpu.memory_space<vmem_shared>>
        tpu.wait_indirect_dma semaphore(%run_scoped3A : memref<!tpu.dma_semaphore, #tpu.memory_space<semaphore_mem>>) src(%arg12 : memref<128x128xf32, #tpu.memory_space<vmem>>) dst(%dma_wait3A_78 : memref<10112x128xf32, #tpu.memory_space<vmem_shared>>)
        tpu.yield
      }) : () -> ()
      %add3A_67 = arith.constant 2 : i32
      %add3A_68 = arith.addi %add3A_63, %add3A_67 : i32
      %lt3A_69 = arith.cmpi slt, %add3A_68, %select_n3A_10 : i32
      %convert_element_type3A_70 = arith.extui %lt3A_69 : i1 to i32
      %cond3A_71 = arith.constant 0 : i32
      %cond3A_72 = arith.cmpi ne, %convert_element_type3A_70, %cond3A_71 : i32
      scf.if %cond3A_72 {
        %add3A_73 = arith.constant 2 : i32
        %add3A_74 = arith.addi %add3A_63, %add3A_73 : i32
        %mul3A_75 = arith.constant 128 : i32
        %mul3A_76 = arith.muli %add3A_74, %mul3A_75 : i32
        %add3A_77 = arith.addi %select_n3A, %mul3A_76 : i32
        "tpu.region"() ({
          %run_scoped3A = tpu.sem_alloc : memref<!tpu.dma_semaphore, #tpu.memory_space<semaphore_mem>>
          %dma_start3A_81 = tpu.memref_slice %arg3[%add3A_77] : memref<327680xi32, #tpu.memory_space<hbm>> -> memref<128xi32, #tpu.memory_space<hbm>>
          %dma_start3A_82 = tpu.memref_slice %arg3[%add3A_77] : memref<327680xi32, #tpu.memory_space<hbm>> -> memref<128xi32, #tpu.memory_space<hbm>>
          tpu.enqueue_dma source(%dma_start3A_82 : memref<128xi32, #tpu.memory_space<hbm>>) target(%arg8 : memref<128xi32, #tpu.memory_space<vmem>>) target_semaphore(%run_scoped3A : memref<!tpu.dma_semaphore, #tpu.memory_space<semaphore_mem>>)
          %dma_wait3A_83 = tpu.memref_slice %arg3[%add3A_77] : memref<327680xi32, #tpu.memory_space<hbm>> -> memref<128xi32, #tpu.memory_space<hbm>>
          %dma_wait3A_84 = tpu.memref_slice %arg3[%add3A_77] : memref<327680xi32, #tpu.memory_space<hbm>> -> memref<128xi32, #tpu.memory_space<hbm>>
          tpu.wait_dma2 semaphore(%run_scoped3A : memref<!tpu.dma_semaphore, #tpu.memory_space<semaphore_mem>>) src(%dma_wait3A_84 : memref<128xi32, #tpu.memory_space<hbm>>) dst(%arg8 : memref<128xi32, #tpu.memory_space<vmem>>)
          tpu.yield
        }) : () -> ()
        "tpu.region"() ({
          %run_scoped3A = tpu.sem_alloc : memref<!tpu.dma_semaphore, #tpu.memory_space<semaphore_mem>>
          %dma_start3A_81 = tpu.memref_slice %arg4[%add3A_77] : memref<327680xi32, #tpu.memory_space<hbm>> -> memref<128xi32, #tpu.memory_space<hbm>>
          %dma_start3A_82 = tpu.memref_slice %arg4[%add3A_77] : memref<327680xi32, #tpu.memory_space<hbm>> -> memref<128xi32, #tpu.memory_space<hbm>>
          tpu.enqueue_dma source(%dma_start3A_82 : memref<128xi32, #tpu.memory_space<hbm>>) target(%arg10 : memref<128xi32, #tpu.memory_space<vmem>>) target_semaphore(%run_scoped3A : memref<!tpu.dma_semaphore, #tpu.memory_space<semaphore_mem>>)
          %dma_wait3A_83 = tpu.memref_slice %arg4[%add3A_77] : memref<327680xi32, #tpu.memory_space<hbm>> -> memref<128xi32, #tpu.memory_space<hbm>>
          %dma_wait3A_84 = tpu.memref_slice %arg4[%add3A_77] : memref<327680xi32, #tpu.memory_space<hbm>> -> memref<128xi32, #tpu.memory_space<hbm>>
          tpu.wait_dma2 semaphore(%run_scoped3A : memref<!tpu.dma_semaphore, #tpu.memory_space<semaphore_mem>>) src(%dma_wait3A_84 : memref<128xi32, #tpu.memory_space<hbm>>) dst(%arg10 : memref<128xi32, #tpu.memory_space<vmem>>)
          tpu.yield
        }) : () -> ()
        %dma_start3A_78 = arith.constant 0 : i32
        %dma_start3A_79 = arith.constant 0 : i32
        %dma_start3A_80 = tpu.memref_slice %arg2[%dma_start3A_78, %dma_start3A_79] : memref<10112x128xf32, #tpu.memory_space<hbm>> -> memref<10112x128xf32, #tpu.memory_space<hbm>>
        tpu.enqueue_indirect_dma source(%dma_start3A_80 : memref<10112x128xf32, #tpu.memory_space<hbm>>) target(%arg12 : memref<128x128xf32, #tpu.memory_space<vmem>>) offsets(%arg8 : memref<128xi32, #tpu.memory_space<vmem>>) semaphore(%arg15 : memref<!tpu.dma_semaphore, #tpu.memory_space<semaphore_mem>>)
      } else {
      }
    }
    %while3A_50 = arith.constant 1 : i32
    scf.for %while3A_52 = %while3A_48 to %while3A_44 step %while3A_50  : i32 {
      %mul3A_53 = arith.constant 2 : i32
      %mul3A_54 = arith.muli %while3A_52, %mul3A_53 : i32
      %add3A_55 = arith.constant 0 : i32
      %add3A_56 = arith.addi %mul3A_54, %add3A_55 : i32
      %dma_wait3A = arith.constant 0 : i32
      %dma_wait3A_57 = arith.constant 0 : i32
      %dma_wait3A_58 = tpu.memref_slice %arg2[%dma_wait3A, %dma_wait3A_57] : memref<10112x128xf32, #tpu.memory_space<hbm>> -> memref<10112x128xf32, #tpu.memory_space<hbm>>
      tpu.wait_indirect_dma semaphore(%arg14 : memref<!tpu.dma_semaphore, #tpu.memory_space<semaphore_mem>>) src(%dma_wait3A_58 : memref<10112x128xf32, #tpu.memory_space<hbm>>) dst(%arg11 : memref<128x128xf32, #tpu.memory_space<vmem>>)
      "tpu.region"() ({
        %run_scoped3A = tpu.sem_alloc : memref<!tpu.dma_semaphore, #tpu.memory_space<semaphore_mem>>
        %dma_start3A_73 = arith.constant 0 : i32
        %dma_start3A_74 = arith.constant 0 : i32
        %dma_start3A_75 = tpu.memref_slice %arg13[%dma_start3A_73, %dma_start3A_74] : memref<10112x128xf32, #tpu.memory_space<vmem_shared>> -> memref<10112x128xf32, #tpu.memory_space<vmem_shared>>
        tpu.enqueue_indirect_dma source(%arg11 : memref<128x128xf32, #tpu.memory_space<vmem>>) target(%dma_start3A_75 : memref<10112x128xf32, #tpu.memory_space<vmem_shared>>) offsets(%arg9 : memref<128xi32, #tpu.memory_space<vmem>>) semaphore(%run_scoped3A : memref<!tpu.dma_semaphore, #tpu.memory_space<semaphore_mem>>) {add = true}
        %dma_wait3A_76 = arith.constant 0 : i32
        %dma_wait3A_77 = arith.constant 0 : i32
        %dma_wait3A_78 = tpu.memref_slice %arg13[%dma_wait3A_76, %dma_wait3A_77] : memref<10112x128xf32, #tpu.memory_space<vmem_shared>> -> memref<10112x128xf32, #tpu.memory_space<vmem_shared>>
        tpu.wait_indirect_dma semaphore(%run_scoped3A : memref<!tpu.dma_semaphore, #tpu.memory_space<semaphore_mem>>) src(%arg11 : memref<128x128xf32, #tpu.memory_space<vmem>>) dst(%dma_wait3A_78 : memref<10112x128xf32, #tpu.memory_space<vmem_shared>>)
        tpu.yield
      }) : () -> ()
      %add3A_59 = arith.constant 2 : i32
      %add3A_60 = arith.addi %add3A_56, %add3A_59 : i32
      %lt3A = arith.cmpi slt, %add3A_60, %select_n3A_10 : i32
      %convert_element_type3A = arith.extui %lt3A : i1 to i32
      %cond3A = arith.constant 0 : i32
      %cond3A_61 = arith.cmpi ne, %convert_element_type3A, %cond3A : i32
      scf.if %cond3A_61 {
        %add3A_73 = arith.constant 2 : i32
        %add3A_74 = arith.addi %add3A_56, %add3A_73 : i32
        %mul3A_75 = arith.constant 128 : i32
        %mul3A_76 = arith.muli %add3A_74, %mul3A_75 : i32
        %add3A_77 = arith.addi %select_n3A, %mul3A_76 : i32
        "tpu.region"() ({
          %run_scoped3A = tpu.sem_alloc : memref<!tpu.dma_semaphore, #tpu.memory_space<semaphore_mem>>
          %dma_start3A_81 = tpu.memref_slice %arg3[%add3A_77] : memref<327680xi32, #tpu.memory_space<hbm>> -> memref<128xi32, #tpu.memory_space<hbm>>
          %dma_start3A_82 = tpu.memref_slice %arg3[%add3A_77] : memref<327680xi32, #tpu.memory_space<hbm>> -> memref<128xi32, #tpu.memory_space<hbm>>
          tpu.enqueue_dma source(%dma_start3A_82 : memref<128xi32, #tpu.memory_space<hbm>>) target(%arg7 : memref<128xi32, #tpu.memory_space<vmem>>) target_semaphore(%run_scoped3A : memref<!tpu.dma_semaphore, #tpu.memory_space<semaphore_mem>>)
          %dma_wait3A_83 = tpu.memref_slice %arg3[%add3A_77] : memref<327680xi32, #tpu.memory_space<hbm>> -> memref<128xi32, #tpu.memory_space<hbm>>
          %dma_wait3A_84 = tpu.memref_slice %arg3[%add3A_77] : memref<327680xi32, #tpu.memory_space<hbm>> -> memref<128xi32, #tpu.memory_space<hbm>>
          tpu.wait_dma2 semaphore(%run_scoped3A : memref<!tpu.dma_semaphore, #tpu.memory_space<semaphore_mem>>) src(%dma_wait3A_84 : memref<128xi32, #tpu.memory_space<hbm>>) dst(%arg7 : memref<128xi32, #tpu.memory_space<vmem>>)
          tpu.yield
        }) : () -> ()
        "tpu.region"() ({
          %run_scoped3A = tpu.sem_alloc : memref<!tpu.dma_semaphore, #tpu.memory_space<semaphore_mem>>
          %dma_start3A_81 = tpu.memref_slice %arg4[%add3A_77] : memref<327680xi32, #tpu.memory_space<hbm>> -> memref<128xi32, #tpu.memory_space<hbm>>
          %dma_start3A_82 = tpu.memref_slice %arg4[%add3A_77] : memref<327680xi32, #tpu.memory_space<hbm>> -> memref<128xi32, #tpu.memory_space<hbm>>
          tpu.enqueue_dma source(%dma_start3A_82 : memref<128xi32, #tpu.memory_space<hbm>>) target(%arg9 : memref<128xi32, #tpu.memory_space<vmem>>) target_semaphore(%run_scoped3A : memref<!tpu.dma_semaphore, #tpu.memory_space<semaphore_mem>>)
          %dma_wait3A_83 = tpu.memref_slice %arg4[%add3A_77] : memref<327680xi32, #tpu.memory_space<hbm>> -> memref<128xi32, #tpu.memory_space<hbm>>
          %dma_wait3A_84 = tpu.memref_slice %arg4[%add3A_77] : memref<327680xi32, #tpu.memory_space<hbm>> -> memref<128xi32, #tpu.memory_space<hbm>>
          tpu.wait_dma2 semaphore(%run_scoped3A : memref<!tpu.dma_semaphore, #tpu.memory_space<semaphore_mem>>) src(%dma_wait3A_84 : memref<128xi32, #tpu.memory_space<hbm>>) dst(%arg9 : memref<128xi32, #tpu.memory_space<vmem>>)
          tpu.yield
        }) : () -> ()
        %dma_start3A_78 = arith.constant 0 : i32
        %dma_start3A_79 = arith.constant 0 : i32
        %dma_start3A_80 = tpu.memref_slice %arg2[%dma_start3A_78, %dma_start3A_79] : memref<10112x128xf32, #tpu.memory_space<hbm>> -> memref<10112x128xf32, #tpu.memory_space<hbm>>
        tpu.enqueue_indirect_dma source(%dma_start3A_80 : memref<10112x128xf32, #tpu.memory_space<hbm>>) target(%arg11 : memref<128x128xf32, #tpu.memory_space<vmem>>) offsets(%arg7 : memref<128xi32, #tpu.memory_space<vmem>>) semaphore(%arg14 : memref<!tpu.dma_semaphore, #tpu.memory_space<semaphore_mem>>)
      } else {
      }
      %add3A_62 = arith.constant 1 : i32
      %add3A_63 = arith.addi %mul3A_54, %add3A_62 : i32
      %dma_wait3A_64 = arith.constant 0 : i32
      %dma_wait3A_65 = arith.constant 0 : i32
      %dma_wait3A_66 = tpu.memref_slice %arg2[%dma_wait3A_64, %dma_wait3A_65] : memref<10112x128xf32, #tpu.memory_space<hbm>> -> memref<10112x128xf32, #tpu.memory_space<hbm>>
      tpu.wait_indirect_dma semaphore(%arg15 : memref<!tpu.dma_semaphore, #tpu.memory_space<semaphore_mem>>) src(%dma_wait3A_66 : memref<10112x128xf32, #tpu.memory_space<hbm>>) dst(%arg12 : memref<128x128xf32, #tpu.memory_space<vmem>>)
      "tpu.region"() ({
        %run_scoped3A = tpu.sem_alloc : memref<!tpu.dma_semaphore, #tpu.memory_space<semaphore_mem>>
        %dma_start3A_73 = arith.constant 0 : i32
        %dma_start3A_74 = arith.constant 0 : i32
        %dma_start3A_75 = tpu.memref_slice %arg13[%dma_start3A_73, %dma_start3A_74] : memref<10112x128xf32, #tpu.memory_space<vmem_shared>> -> memref<10112x128xf32, #tpu.memory_space<vmem_shared>>
        tpu.enqueue_indirect_dma source(%arg12 : memref<128x128xf32, #tpu.memory_space<vmem>>) target(%dma_start3A_75 : memref<10112x128xf32, #tpu.memory_space<vmem_shared>>) offsets(%arg10 : memref<128xi32, #tpu.memory_space<vmem>>) semaphore(%run_scoped3A : memref<!tpu.dma_semaphore, #tpu.memory_space<semaphore_mem>>) {add = true}
        %dma_wait3A_76 = arith.constant 0 : i32
        %dma_wait3A_77 = arith.constant 0 : i32
        %dma_wait3A_78 = tpu.memref_slice %arg13[%dma_wait3A_76, %dma_wait3A_77] : memref<10112x128xf32, #tpu.memory_space<vmem_shared>> -> memref<10112x128xf32, #tpu.memory_space<vmem_shared>>
        tpu.wait_indirect_dma semaphore(%run_scoped3A : memref<!tpu.dma_semaphore, #tpu.memory_space<semaphore_mem>>) src(%arg12 : memref<128x128xf32, #tpu.memory_space<vmem>>) dst(%dma_wait3A_78 : memref<10112x128xf32, #tpu.memory_space<vmem_shared>>)
        tpu.yield
      }) : () -> ()
      %add3A_67 = arith.constant 2 : i32
      %add3A_68 = arith.addi %add3A_63, %add3A_67 : i32
      %lt3A_69 = arith.cmpi slt, %add3A_68, %select_n3A_10 : i32
      %convert_element_type3A_70 = arith.extui %lt3A_69 : i1 to i32
      %cond3A_71 = arith.constant 0 : i32
      %cond3A_72 = arith.cmpi ne, %convert_element_type3A_70, %cond3A_71 : i32
      scf.if %cond3A_72 {
        %add3A_73 = arith.constant 2 : i32
        %add3A_74 = arith.addi %add3A_63, %add3A_73 : i32
        %mul3A_75 = arith.constant 128 : i32
        %mul3A_76 = arith.muli %add3A_74, %mul3A_75 : i32
        %add3A_77 = arith.addi %select_n3A, %mul3A_76 : i32
        "tpu.region"() ({
          %run_scoped3A = tpu.sem_alloc : memref<!tpu.dma_semaphore, #tpu.memory_space<semaphore_mem>>
          %dma_start3A_81 = tpu.memref_slice %arg3[%add3A_77] : memref<327680xi32, #tpu.memory_space<hbm>> -> memref<128xi32, #tpu.memory_space<hbm>>
          %dma_start3A_82 = tpu.memref_slice %arg3[%add3A_77] : memref<327680xi32, #tpu.memory_space<hbm>> -> memref<128xi32, #tpu.memory_space<hbm>>
          tpu.enqueue_dma source(%dma_start3A_82 : memref<128xi32, #tpu.memory_space<hbm>>) target(%arg8 : memref<128xi32, #tpu.memory_space<vmem>>) target_semaphore(%run_scoped3A : memref<!tpu.dma_semaphore, #tpu.memory_space<semaphore_mem>>)
          %dma_wait3A_83 = tpu.memref_slice %arg3[%add3A_77] : memref<327680xi32, #tpu.memory_space<hbm>> -> memref<128xi32, #tpu.memory_space<hbm>>
          %dma_wait3A_84 = tpu.memref_slice %arg3[%add3A_77] : memref<327680xi32, #tpu.memory_space<hbm>> -> memref<128xi32, #tpu.memory_space<hbm>>
          tpu.wait_dma2 semaphore(%run_scoped3A : memref<!tpu.dma_semaphore, #tpu.memory_space<semaphore_mem>>) src(%dma_wait3A_84 : memref<128xi32, #tpu.memory_space<hbm>>) dst(%arg8 : memref<128xi32, #tpu.memory_space<vmem>>)
          tpu.yield
        }) : () -> ()
        "tpu.region"() ({
          %run_scoped3A = tpu.sem_alloc : memref<!tpu.dma_semaphore, #tpu.memory_space<semaphore_mem>>
          %dma_start3A_81 = tpu.memref_slice %arg4[%add3A_77] : memref<327680xi32, #tpu.memory_space<hbm>> -> memref<128xi32, #tpu.memory_space<hbm>>
          %dma_start3A_82 = tpu.memref_slice %arg4[%add3A_77] : memref<327680xi32, #tpu.memory_space<hbm>> -> memref<128xi32, #tpu.memory_space<hbm>>
          tpu.enqueue_dma source(%dma_start3A_82 : memref<128xi32, #tpu.memory_space<hbm>>) target(%arg10 : memref<128xi32, #tpu.memory_space<vmem>>) target_semaphore(%run_scoped3A : memref<!tpu.dma_semaphore, #tpu.memory_space<semaphore_mem>>)
          %dma_wait3A_83 = tpu.memref_slice %arg4[%add3A_77] : memref<327680xi32, #tpu.memory_space<hbm>> -> memref<128xi32, #tpu.memory_space<hbm>>
          %dma_wait3A_84 = tpu.memref_slice %arg4[%add3A_77] : memref<327680xi32, #tpu.memory_space<hbm>> -> memref<128xi32, #tpu.memory_space<hbm>>
          tpu.wait_dma2 semaphore(%run_scoped3A : memref<!tpu.dma_semaphore, #tpu.memory_space<semaphore_mem>>) src(%dma_wait3A_84 : memref<128xi32, #tpu.memory_space<hbm>>) dst(%arg10 : memref<128xi32, #tpu.memory_space<vmem>>)
          tpu.yield
        }) : () -> ()
        %dma_start3A_78 = arith.constant 0 : i32
        %dma_start3A_79 = arith.constant 0 : i32
        %dma_start3A_80 = tpu.memref_slice %arg2[%dma_start3A_78, %dma_start3A_79] : memref<10112x128xf32, #tpu.memory_space<hbm>> -> memref<10112x128xf32, #tpu.memory_space<hbm>>
        tpu.enqueue_indirect_dma source(%dma_start3A_80 : memref<10112x128xf32, #tpu.memory_space<hbm>>) target(%arg12 : memref<128x128xf32, #tpu.memory_space<vmem>>) offsets(%arg8 : memref<128xi32, #tpu.memory_space<vmem>>) semaphore(%arg15 : memref<!tpu.dma_semaphore, #tpu.memory_space<semaphore_mem>>)
      } else {
      }
    }
    %barrier3A_51 = arith.constant 0 : index
    tpu.barrier barrier_id(%barrier3A_51)
    "tpu.region"() ({
      %run_scoped3A = tpu.sem_alloc : memref<!tpu.dma_semaphore, #tpu.memory_space<semaphore_mem>>
      %dma_start3A_52 = arith.constant 0 : i32
      %dma_start3A_53 = tpu.memref_slice %arg6[%arg0, %mul3A_0, %dma_start3A_52] : memref<2x10112x128xf32, #tpu.memory_space<hbm>> -> memref<1x632x128xf32, #tpu.memory_space<hbm>>
      %dma_start3A_54 = tpu.memref_squeeze %dma_start3A_53 : memref<1x632x128xf32, #tpu.memory_space<hbm>> -> memref<632x128xf32, #tpu.memory_space<hbm>>
      %dma_start3A_55 = arith.constant 0 : i32
      %dma_start3A_56 = tpu.memref_slice %arg13[%mul3A_0, %dma_start3A_55] : memref<10112x128xf32, #tpu.memory_space<vmem_shared>> -> memref<632x128xf32, #tpu.memory_space<vmem_shared>>
      tpu.enqueue_dma source(%dma_start3A_56 : memref<632x128xf32, #tpu.memory_space<vmem_shared>>) target(%dma_start3A_54 : memref<632x128xf32, #tpu.memory_space<hbm>>) target_semaphore(%run_scoped3A : memref<!tpu.dma_semaphore, #tpu.memory_space<semaphore_mem>>)
      %dma_wait3A = arith.constant 0 : i32
      %dma_wait3A_57 = tpu.memref_slice %arg6[%arg0, %mul3A_0, %dma_wait3A] : memref<2x10112x128xf32, #tpu.memory_space<hbm>> -> memref<1x632x128xf32, #tpu.memory_space<hbm>>
      %dma_wait3A_58 = tpu.memref_squeeze %dma_wait3A_57 : memref<1x632x128xf32, #tpu.memory_space<hbm>> -> memref<632x128xf32, #tpu.memory_space<hbm>>
      %dma_wait3A_59 = arith.constant 0 : i32
      %dma_wait3A_60 = tpu.memref_slice %arg13[%mul3A_0, %dma_wait3A_59] : memref<10112x128xf32, #tpu.memory_space<vmem_shared>> -> memref<632x128xf32, #tpu.memory_space<vmem_shared>>
      tpu.wait_dma2 semaphore(%run_scoped3A : memref<!tpu.dma_semaphore, #tpu.memory_space<semaphore_mem>>) src(%dma_wait3A_60 : memref<632x128xf32, #tpu.memory_space<vmem_shared>>) dst(%dma_wait3A_58 : memref<632x128xf32, #tpu.memory_space<hbm>>)
      tpu.yield
    }) : () -> ()
    return
  }
}

#map = affine_map<(d0, d1) -> (0)>
#map1 = affine_map<(d0, d1) -> (0, 0, 0, 0)>
module attributes {stable_mosaic.version = 14 : i64} {
  func.func @_degrees_sc(%arg0: i32, %arg1: i32, %arg2: memref<327680xi32, #tpu.memory_space<hbm>>, %arg3: memref<327680xi32, #tpu.memory_space<hbm>>, %arg4: memref<2x32x79x128xf32, #tpu.memory_space<hbm>>, %arg5: memref<1024xi32, #tpu.memory_space<vmem>>, %arg6: memref<79x128xf32, #tpu.memory_space<vmem>>, %arg7: memref<79x128xf32, #tpu.memory_space<vmem>>) attributes {dimension_semantics = [#tpu.dimension_semantics<core_parallel>, #tpu.dimension_semantics<subcore_parallel>], iteration_bounds = array<i64: 2, 16>, scalar_prefetch = 0 : i64, scratch_operands = 3 : i64, tpu.core_type = #tpu.core_type<sc_vector_subcore>, window_params = [{transform_indices = #map}, {transform_indices = #map}, {transform_indices = #map1}]} {
    %mul3A = arith.constant 16 : i32
    %mul3A_0 = arith.muli %arg0, %mul3A : i32
    %add3A = arith.addi %mul3A_0, %arg1 : i32
    %mul3A_1 = arith.constant 10240 : i32
    %mul3A_2 = arith.muli %add3A, %mul3A_1 : i32
    %broadcast_in_dim3A = arith.constant 0.000000e+00 : f32
    %broadcast_in_dim3A_3 = vector.broadcast %broadcast_in_dim3A : f32 to vector<16xf32>
    %broadcast_in_dim3A_4 = arith.constant 1.000000e+00 : f32
    %broadcast_in_dim3A_5 = vector.broadcast %broadcast_in_dim3A_4 : f32 to vector<16xf32>
    %scan3A = arith.constant 0 : i32
    %scan3A_6 = arith.constant 0 : i32
    %scan3A_7 = arith.constant 632 : i32
    %scan3A_8 = arith.addi %scan3A_6, %scan3A_7 : i32
    %scan3A_9 = arith.constant 1 : i32
    scf.for %scan3A_24 = %scan3A_6 to %scan3A_8 step %scan3A_9  : i32 {
      %jit3A = arith.constant 8 : i32
      %div3A = arith.divsi %scan3A_24, %jit3A : i32
      %sign3A = arith.constant 0 : i32
      %sign3A_25 = arith.cmpi sgt, %scan3A_24, %sign3A : i32
      %sign3A_26 = arith.extui %sign3A_25 : i1 to i32
      %sign3A_27 = arith.constant 0 : i32
      %sign3A_28 = arith.cmpi slt, %scan3A_24, %sign3A_27 : i32
      %sign3A_29 = arith.extui %sign3A_28 : i1 to i32
      %sign3A_30 = arith.subi %sign3A_26, %sign3A_29 : i32
      %sign3A_31 = arith.constant 0 : i32
      %sign3A_32 = arith.cmpi sgt, %jit3A, %sign3A_31 : i32
      %sign3A_33 = arith.extui %sign3A_32 : i1 to i32
      %sign3A_34 = arith.constant 0 : i32
      %sign3A_35 = arith.cmpi slt, %jit3A, %sign3A_34 : i32
      %sign3A_36 = arith.extui %sign3A_35 : i1 to i32
      %sign3A_37 = arith.subi %sign3A_33, %sign3A_36 : i32
      %ne3A = arith.cmpi ne, %sign3A_30, %sign3A_37 : i32
      %rem3A = arith.remsi %scan3A_24, %jit3A : i32
      %ne3A_38 = arith.constant 0 : i32
      %ne3A_39 = arith.cmpi ne, %rem3A, %ne3A_38 : i32
      %and3A = arith.andi %ne3A, %ne3A_39 : i1
      %sub3A = arith.constant 1 : i32
      %sub3A_40 = arith.subi %div3A, %sub3A : i32
      %select_n3A = arith.select %and3A, %sub3A_40, %div3A : i32
      %jit3A_41 = arith.constant 8 : i32
      %eq3A = arith.constant 0 : i32
      %eq3A_42 = arith.cmpi eq, %jit3A_41, %eq3A : i32
      %jit3A_43 = arith.constant 1 : i32
      %select_n3A_44 = arith.select %eq3A_42, %jit3A_43, %jit3A_41 : i32
      %rem3A_45 = arith.remsi %scan3A_24, %select_n3A_44 : i32
      %ne3A_46 = arith.constant 0 : i32
      %ne3A_47 = arith.cmpi ne, %rem3A_45, %ne3A_46 : i32
      %lt3A = arith.constant 0 : i32
      %lt3A_48 = arith.cmpi slt, %rem3A_45, %lt3A : i32
      %lt3A_49 = arith.constant 0 : i32
      %lt3A_50 = arith.cmpi slt, %select_n3A_44, %lt3A_49 : i32
      %ne3A_51 = arith.xori %lt3A_48, %lt3A_50 : i1
      %and3A_52 = arith.andi %ne3A_51, %ne3A_47 : i1
      %add3A_53 = arith.addi %rem3A_45, %select_n3A_44 : i32
      %select_n3A_54 = arith.select %and3A_52, %add3A_53, %rem3A_45 : i32
      %mul3A_55 = arith.constant 16 : i32
      %mul3A_56 = arith.muli %select_n3A_54, %mul3A_55 : i32
      %swap3A = arith.index_cast %select_n3A : i32 to index
      %swap3A_57 = arith.index_cast %mul3A_56 : i32 to index
      %swap3A_58 = tpu.vector_load %arg6[%swap3A, %swap3A_57] {strides = array<i32>} : memref<79x128xf32, #tpu.memory_space<vmem>>, vector<16xf32>,
      tpu.vector_store %arg6[%swap3A, %swap3A_57], %broadcast_in_dim3A_3 {strides = array<i32>} : memref<79x128xf32, #tpu.memory_space<vmem>>, vector<16xf32>,
      %jit3A_59 = arith.constant 8 : i32
      %div3A_60 = arith.divsi %scan3A_24, %jit3A_59 : i32
      %sign3A_61 = arith.constant 0 : i32
      %sign3A_62 = arith.cmpi sgt, %scan3A_24, %sign3A_61 : i32
      %sign3A_63 = arith.extui %sign3A_62 : i1 to i32
      %sign3A_64 = arith.constant 0 : i32
      %sign3A_65 = arith.cmpi slt, %scan3A_24, %sign3A_64 : i32
      %sign3A_66 = arith.extui %sign3A_65 : i1 to i32
      %sign3A_67 = arith.subi %sign3A_63, %sign3A_66 : i32
      %sign3A_68 = arith.constant 0 : i32
      %sign3A_69 = arith.cmpi sgt, %jit3A_59, %sign3A_68 : i32
      %sign3A_70 = arith.extui %sign3A_69 : i1 to i32
      %sign3A_71 = arith.constant 0 : i32
      %sign3A_72 = arith.cmpi slt, %jit3A_59, %sign3A_71 : i32
      %sign3A_73 = arith.extui %sign3A_72 : i1 to i32
      %sign3A_74 = arith.subi %sign3A_70, %sign3A_73 : i32
      %ne3A_75 = arith.cmpi ne, %sign3A_67, %sign3A_74 : i32
      %rem3A_76 = arith.remsi %scan3A_24, %jit3A_59 : i32
      %ne3A_77 = arith.constant 0 : i32
      %ne3A_78 = arith.cmpi ne, %rem3A_76, %ne3A_77 : i32
      %and3A_79 = arith.andi %ne3A_75, %ne3A_78 : i1
      %sub3A_80 = arith.constant 1 : i32
      %sub3A_81 = arith.subi %div3A_60, %sub3A_80 : i32
      %select_n3A_82 = arith.select %and3A_79, %sub3A_81, %div3A_60 : i32
      %jit3A_83 = arith.constant 8 : i32
      %eq3A_84 = arith.constant 0 : i32
      %eq3A_85 = arith.cmpi eq, %jit3A_83, %eq3A_84 : i32
      %jit3A_86 = arith.constant 1 : i32
      %select_n3A_87 = arith.select %eq3A_85, %jit3A_86, %jit3A_83 : i32
      %rem3A_88 = arith.remsi %scan3A_24, %select_n3A_87 : i32
      %ne3A_89 = arith.constant 0 : i32
      %ne3A_90 = arith.cmpi ne, %rem3A_88, %ne3A_89 : i32
      %lt3A_91 = arith.constant 0 : i32
      %lt3A_92 = arith.cmpi slt, %rem3A_88, %lt3A_91 : i32
      %lt3A_93 = arith.constant 0 : i32
      %lt3A_94 = arith.cmpi slt, %select_n3A_87, %lt3A_93 : i32
      %ne3A_95 = arith.xori %lt3A_92, %lt3A_94 : i1
      %and3A_96 = arith.andi %ne3A_95, %ne3A_90 : i1
      %add3A_97 = arith.addi %rem3A_88, %select_n3A_87 : i32
      %select_n3A_98 = arith.select %and3A_96, %add3A_97, %rem3A_88 : i32
      %mul3A_99 = arith.constant 16 : i32
      %mul3A_100 = arith.muli %select_n3A_98, %mul3A_99 : i32
      %swap3A_101 = arith.index_cast %select_n3A_82 : i32 to index
      %swap3A_102 = arith.index_cast %mul3A_100 : i32 to index
      %swap3A_103 = tpu.vector_load %arg7[%swap3A_101, %swap3A_102] {strides = array<i32>} : memref<79x128xf32, #tpu.memory_space<vmem>>, vector<16xf32>,
      tpu.vector_store %arg7[%swap3A_101, %swap3A_102], %broadcast_in_dim3A_3 {strides = array<i32>} : memref<79x128xf32, #tpu.memory_space<vmem>>, vector<16xf32>,
    }
    %scan3A_10 = arith.constant 632 : i32
    %scan3A_11 = arith.constant 0 : i32
    %scan3A_12 = arith.constant 0 : i32
    %scan3A_13 = arith.constant 10 : i32
    %scan3A_14 = arith.addi %scan3A_12, %scan3A_13 : i32
    %scan3A_15 = arith.constant 1 : i32
    scf.for %scan3A_24 = %scan3A_12 to %scan3A_14 step %scan3A_15  : i32 {
      %mul3A_25 = arith.constant 1024 : i32
      %mul3A_26 = arith.muli %scan3A_24, %mul3A_25 : i32
      %add3A_27 = arith.addi %mul3A_2, %mul3A_26 : i32
      "tpu.region"() ({
        %run_scoped3A_34 = tpu.sem_alloc : memref<!tpu.dma_semaphore, #tpu.memory_space<semaphore_mem>>
        %dma_start3A = tpu.memref_slice %arg2[%add3A_27] : memref<327680xi32, #tpu.memory_space<hbm>> -> memref<1024xi32, #tpu.memory_space<hbm>>
        %dma_start3A_35 = tpu.memref_slice %arg2[%add3A_27] : memref<327680xi32, #tpu.memory_space<hbm>> -> memref<1024xi32, #tpu.memory_space<hbm>>
        tpu.enqueue_dma source(%dma_start3A_35 : memref<1024xi32, #tpu.memory_space<hbm>>) target(%arg5 : memref<1024xi32, #tpu.memory_space<vmem>>) target_semaphore(%run_scoped3A_34 : memref<!tpu.dma_semaphore, #tpu.memory_space<semaphore_mem>>)
        %dma_wait3A = tpu.memref_slice %arg2[%add3A_27] : memref<327680xi32, #tpu.memory_space<hbm>> -> memref<1024xi32, #tpu.memory_space<hbm>>
        %dma_wait3A_36 = tpu.memref_slice %arg2[%add3A_27] : memref<327680xi32, #tpu.memory_space<hbm>> -> memref<1024xi32, #tpu.memory_space<hbm>>
        tpu.wait_dma2 semaphore(%run_scoped3A_34 : memref<!tpu.dma_semaphore, #tpu.memory_space<semaphore_mem>>) src(%dma_wait3A_36 : memref<1024xi32, #tpu.memory_space<hbm>>) dst(%arg5 : memref<1024xi32, #tpu.memory_space<vmem>>)
        tpu.yield
      }) : () -> ()
      %scan3A_28 = arith.constant 0 : i32
      %scan3A_29 = arith.constant 0 : i32
      %scan3A_30 = arith.constant 64 : i32
      %scan3A_31 = arith.addi %scan3A_29, %scan3A_30 : i32
      %scan3A_32 = arith.constant 1 : i32
      scf.for %scan3A_34 = %scan3A_29 to %scan3A_31 step %scan3A_32  : i32 {
        %mul3A_35 = arith.constant 16 : i32
        %mul3A_36 = arith.muli %scan3A_34, %mul3A_35 : i32
        %get3A = arith.index_cast %mul3A_36 : i32 to index
        %get3A_37 = tpu.vector_load %arg5[%get3A] {strides = array<i32>} : memref<1024xi32, #tpu.memory_space<vmem>>, vector<16xi32>,
        %shift_right_logical3A = arith.constant 7 : i32
        %shift_right_logical3A_38 = vector.broadcast %shift_right_logical3A : i32 to vector<16xi32>
        %shift_right_logical3A_39 = arith.shrui %get3A_37, %shift_right_logical3A_38 : vector<16xi32>
        %and3A = arith.constant 127 : i32
        %and3A_40 = vector.broadcast %and3A : i32 to vector<16xi32>
        %and3A_41 = arith.andi %get3A_37, %and3A_40 : vector<16xi32>
        tpu.vector_store_idx %arg6[%shift_right_logical3A_39, %and3A_41], %broadcast_in_dim3A_5 {add = true} : memref<79x128xf32, #tpu.memory_space<vmem>>[vector<16xi32>, vector<16xi32>], vector<16xf32>,
      }
      %scan3A_33 = arith.constant 64 : i32
    }
    %scan3A_16 = arith.constant 10 : i32
    %scan3A_17 = arith.constant 0 : i32
    %scan3A_18 = arith.constant 0 : i32
    %scan3A_19 = arith.constant 10 : i32
    %scan3A_20 = arith.addi %scan3A_18, %scan3A_19 : i32
    %scan3A_21 = arith.constant 1 : i32
    scf.for %scan3A_24 = %scan3A_18 to %scan3A_20 step %scan3A_21  : i32 {
      %mul3A_25 = arith.constant 1024 : i32
      %mul3A_26 = arith.muli %scan3A_24, %mul3A_25 : i32
      %add3A_27 = arith.addi %mul3A_2, %mul3A_26 : i32
      "tpu.region"() ({
        %run_scoped3A_34 = tpu.sem_alloc : memref<!tpu.dma_semaphore, #tpu.memory_space<semaphore_mem>>
        %dma_start3A = tpu.memref_slice %arg3[%add3A_27] : memref<327680xi32, #tpu.memory_space<hbm>> -> memref<1024xi32, #tpu.memory_space<hbm>>
        %dma_start3A_35 = tpu.memref_slice %arg3[%add3A_27] : memref<327680xi32, #tpu.memory_space<hbm>> -> memref<1024xi32, #tpu.memory_space<hbm>>
        tpu.enqueue_dma source(%dma_start3A_35 : memref<1024xi32, #tpu.memory_space<hbm>>) target(%arg5 : memref<1024xi32, #tpu.memory_space<vmem>>) target_semaphore(%run_scoped3A_34 : memref<!tpu.dma_semaphore, #tpu.memory_space<semaphore_mem>>)
        %dma_wait3A = tpu.memref_slice %arg3[%add3A_27] : memref<327680xi32, #tpu.memory_space<hbm>> -> memref<1024xi32, #tpu.memory_space<hbm>>
        %dma_wait3A_36 = tpu.memref_slice %arg3[%add3A_27] : memref<327680xi32, #tpu.memory_space<hbm>> -> memref<1024xi32, #tpu.memory_space<hbm>>
        tpu.wait_dma2 semaphore(%run_scoped3A_34 : memref<!tpu.dma_semaphore, #tpu.memory_space<semaphore_mem>>) src(%dma_wait3A_36 : memref<1024xi32, #tpu.memory_space<hbm>>) dst(%arg5 : memref<1024xi32, #tpu.memory_space<vmem>>)
        tpu.yield
      }) : () -> ()
      %scan3A_28 = arith.constant 0 : i32
      %scan3A_29 = arith.constant 0 : i32
      %scan3A_30 = arith.constant 64 : i32
      %scan3A_31 = arith.addi %scan3A_29, %scan3A_30 : i32
      %scan3A_32 = arith.constant 1 : i32
      scf.for %scan3A_34 = %scan3A_29 to %scan3A_31 step %scan3A_32  : i32 {
        %mul3A_35 = arith.constant 16 : i32
        %mul3A_36 = arith.muli %scan3A_34, %mul3A_35 : i32
        %get3A = arith.index_cast %mul3A_36 : i32 to index
        %get3A_37 = tpu.vector_load %arg5[%get3A] {strides = array<i32>} : memref<1024xi32, #tpu.memory_space<vmem>>, vector<16xi32>,
        %shift_right_logical3A = arith.constant 7 : i32
        %shift_right_logical3A_38 = vector.broadcast %shift_right_logical3A : i32 to vector<16xi32>
        %shift_right_logical3A_39 = arith.shrui %get3A_37, %shift_right_logical3A_38 : vector<16xi32>
        %and3A = arith.constant 127 : i32
        %and3A_40 = vector.broadcast %and3A : i32 to vector<16xi32>
        %and3A_41 = arith.andi %get3A_37, %and3A_40 : vector<16xi32>
        tpu.vector_store_idx %arg7[%shift_right_logical3A_39, %and3A_41], %broadcast_in_dim3A_5 {add = true} : memref<79x128xf32, #tpu.memory_space<vmem>>[vector<16xi32>, vector<16xi32>], vector<16xf32>,
      }
      %scan3A_33 = arith.constant 64 : i32
    }
    %scan3A_22 = arith.constant 10 : i32
    %run_scoped3A = arith.constant 0 : i32
    "tpu.region"() ({
      %run_scoped3A_24 = tpu.sem_alloc : memref<!tpu.dma_semaphore, #tpu.memory_space<semaphore_mem>>
      %dma_start3A = arith.constant 0 : i32
      %dma_start3A_25 = arith.constant 0 : i32
      %dma_start3A_26 = tpu.memref_slice %arg4[%run_scoped3A, %add3A, %dma_start3A, %dma_start3A_25] : memref<2x32x79x128xf32, #tpu.memory_space<hbm>> -> memref<1x1x79x128xf32, #tpu.memory_space<hbm>>
      %dma_start3A_27 = tpu.memref_squeeze %dma_start3A_26 : memref<1x1x79x128xf32, #tpu.memory_space<hbm>> -> memref<79x128xf32, #tpu.memory_space<hbm>>
      %dma_start3A_28 = arith.constant 0 : i32
      %dma_start3A_29 = arith.constant 0 : i32
      %dma_start3A_30 = tpu.memref_slice %arg4[%run_scoped3A, %add3A, %dma_start3A_28, %dma_start3A_29] : memref<2x32x79x128xf32, #tpu.memory_space<hbm>> -> memref<1x1x79x128xf32, #tpu.memory_space<hbm>>
      %dma_start3A_31 = tpu.memref_squeeze %dma_start3A_30 : memref<1x1x79x128xf32, #tpu.memory_space<hbm>> -> memref<79x128xf32, #tpu.memory_space<hbm>>
      tpu.enqueue_dma source(%arg6 : memref<79x128xf32, #tpu.memory_space<vmem>>) target(%dma_start3A_31 : memref<79x128xf32, #tpu.memory_space<hbm>>) target_semaphore(%run_scoped3A_24 : memref<!tpu.dma_semaphore, #tpu.memory_space<semaphore_mem>>)
      %dma_wait3A = arith.constant 0 : i32
      %dma_wait3A_32 = arith.constant 0 : i32
      %dma_wait3A_33 = tpu.memref_slice %arg4[%run_scoped3A, %add3A, %dma_wait3A, %dma_wait3A_32] : memref<2x32x79x128xf32, #tpu.memory_space<hbm>> -> memref<1x1x79x128xf32, #tpu.memory_space<hbm>>
      %dma_wait3A_34 = tpu.memref_squeeze %dma_wait3A_33 : memref<1x1x79x128xf32, #tpu.memory_space<hbm>> -> memref<79x128xf32, #tpu.memory_space<hbm>>
      %dma_wait3A_35 = arith.constant 0 : i32
      %dma_wait3A_36 = arith.constant 0 : i32
      %dma_wait3A_37 = tpu.memref_slice %arg4[%run_scoped3A, %add3A, %dma_wait3A_35, %dma_wait3A_36] : memref<2x32x79x128xf32, #tpu.memory_space<hbm>> -> memref<1x1x79x128xf32, #tpu.memory_space<hbm>>
      %dma_wait3A_38 = tpu.memref_squeeze %dma_wait3A_37 : memref<1x1x79x128xf32, #tpu.memory_space<hbm>> -> memref<79x128xf32, #tpu.memory_space<hbm>>
      tpu.wait_dma2 semaphore(%run_scoped3A_24 : memref<!tpu.dma_semaphore, #tpu.memory_space<semaphore_mem>>) src(%arg6 : memref<79x128xf32, #tpu.memory_space<vmem>>) dst(%dma_wait3A_38 : memref<79x128xf32, #tpu.memory_space<hbm>>)
      tpu.yield
    }) : () -> ()
    %run_scoped3A_23 = arith.constant 1 : i32
    "tpu.region"() ({
      %run_scoped3A_24 = tpu.sem_alloc : memref<!tpu.dma_semaphore, #tpu.memory_space<semaphore_mem>>
      %dma_start3A = arith.constant 0 : i32
      %dma_start3A_25 = arith.constant 0 : i32
      %dma_start3A_26 = tpu.memref_slice %arg4[%run_scoped3A_23, %add3A, %dma_start3A, %dma_start3A_25] : memref<2x32x79x128xf32, #tpu.memory_space<hbm>> -> memref<1x1x79x128xf32, #tpu.memory_space<hbm>>
      %dma_start3A_27 = tpu.memref_squeeze %dma_start3A_26 : memref<1x1x79x128xf32, #tpu.memory_space<hbm>> -> memref<79x128xf32, #tpu.memory_space<hbm>>
      %dma_start3A_28 = arith.constant 0 : i32
      %dma_start3A_29 = arith.constant 0 : i32
      %dma_start3A_30 = tpu.memref_slice %arg4[%run_scoped3A_23, %add3A, %dma_start3A_28, %dma_start3A_29] : memref<2x32x79x128xf32, #tpu.memory_space<hbm>> -> memref<1x1x79x128xf32, #tpu.memory_space<hbm>>
      %dma_start3A_31 = tpu.memref_squeeze %dma_start3A_30 : memref<1x1x79x128xf32, #tpu.memory_space<hbm>> -> memref<79x128xf32, #tpu.memory_space<hbm>>
      tpu.enqueue_dma source(%arg7 : memref<79x128xf32, #tpu.memory_space<vmem>>) target(%dma_start3A_31 : memref<79x128xf32, #tpu.memory_space<hbm>>) target_semaphore(%run_scoped3A_24 : memref<!tpu.dma_semaphore, #tpu.memory_space<semaphore_mem>>)
      %dma_wait3A = arith.constant 0 : i32
      %dma_wait3A_32 = arith.constant 0 : i32
      %dma_wait3A_33 = tpu.memref_slice %arg4[%run_scoped3A_23, %add3A, %dma_wait3A, %dma_wait3A_32] : memref<2x32x79x128xf32, #tpu.memory_space<hbm>> -> memref<1x1x79x128xf32, #tpu.memory_space<hbm>>
      %dma_wait3A_34 = tpu.memref_squeeze %dma_wait3A_33 : memref<1x1x79x128xf32, #tpu.memory_space<hbm>> -> memref<79x128xf32, #tpu.memory_space<hbm>>
      %dma_wait3A_35 = arith.constant 0 : i32
      %dma_wait3A_36 = arith.constant 0 : i32
      %dma_wait3A_37 = tpu.memref_slice %arg4[%run_scoped3A_23, %add3A, %dma_wait3A_35, %dma_wait3A_36] : memref<2x32x79x128xf32, #tpu.memory_space<hbm>> -> memref<1x1x79x128xf32, #tpu.memory_space<hbm>>
      %dma_wait3A_38 = tpu.memref_squeeze %dma_wait3A_37 : memref<1x1x79x128xf32, #tpu.memory_space<hbm>> -> memref<79x128xf32, #tpu.memory_space<hbm>>
      tpu.wait_dma2 semaphore(%run_scoped3A_24 : memref<!tpu.dma_semaphore, #tpu.memory_space<semaphore_mem>>) src(%arg7 : memref<79x128xf32, #tpu.memory_space<vmem>>) dst(%dma_wait3A_38 : memref<79x128xf32, #tpu.memory_space<hbm>>)
      tpu.yield
    }) : () -> ()
    return
  }
}

#map = affine_map<(d0, d1) -> (0, 0)>
#map1 = affine_map<(d0, d1) -> (0)>
#map2 = affine_map<(d0, d1) -> (0, 0, 0)>
module attributes {stable_mosaic.version = 14 : i64} {
  func.func @_edge_agg_sc(%arg0: i32, %arg1: i32, %arg2: memref<10112x128xf32, #tpu.memory_space<hbm>>, %arg3: memref<327680xi32, #tpu.memory_space<hbm>>, %arg4: memref<327680xi32, #tpu.memory_space<hbm>>, %arg5: memref<632x128xf32, #tpu.memory_space<hbm>>, %arg6: memref<2x10112x128xf32, #tpu.memory_space<hbm>>, %arg7: memref<128xi32, #tpu.memory_space<vmem>>, %arg8: memref<128xi32, #tpu.memory_space<vmem>>, %arg9: memref<128xi32, #tpu.memory_space<vmem>>, %arg10: memref<128xi32, #tpu.memory_space<vmem>>, %arg11: memref<128x128xf32, #tpu.memory_space<vmem>>, %arg12: memref<128x128xf32, #tpu.memory_space<vmem>>, %arg13: memref<10112x128xf32, #tpu.memory_space<vmem_shared>>, %arg14: memref<!tpu.dma_semaphore, #tpu.memory_space<semaphore_mem>>, %arg15: memref<!tpu.dma_semaphore, #tpu.memory_space<semaphore_mem>>) attributes {dimension_semantics = [#tpu.dimension_semantics<core_parallel>, #tpu.dimension_semantics<subcore_parallel>], iteration_bounds = array<i64: 2, 16>, scalar_prefetch = 0 : i64, scratch_operands = 9 : i64, tpu.core_type = #tpu.core_type<sc_vector_subcore>, window_params = [{transform_indices = #map}, {transform_indices = #map1}, {transform_indices = #map1}, {transform_indices = #map}, {transform_indices = #map2}]} {
    %mul3A = arith.constant 632 : i32
    %mul3A_0 = arith.muli %arg1, %mul3A : i32
    %eq3A = arith.constant 0 : i32
    %eq3A_1 = arith.cmpi eq, %arg0, %eq3A : i32
    %mul3A_2 = arith.constant 14592 : i32
    %mul3A_3 = arith.muli %arg1, %mul3A_2 : i32
    %mul3A_4 = arith.constant 5888 : i32
    %mul3A_5 = arith.muli %arg1, %mul3A_4 : i32
    %add3A = arith.constant 233472 : i32
    %add3A_6 = arith.addi %add3A, %mul3A_5 : i32
    %select_n3A = arith.select %eq3A_1, %mul3A_3, %add3A_6 : i32
    %eq3A_7 = arith.constant 0 : i32
    %eq3A_8 = arith.cmpi eq, %arg0, %eq3A_7 : i32
    %jit3A = arith.constant 114 : i32
    %jit3A_9 = arith.constant 46 : i32
    %select_n3A_10 = arith.select %eq3A_8, %jit3A, %jit3A_9 : i32
    "tpu.region"() ({
      %run_scoped3A = tpu.sem_alloc : memref<!tpu.dma_semaphore, #tpu.memory_space<semaphore_mem>>
      %dma_start3A_52 = arith.constant 0 : i32
      %dma_start3A_53 = tpu.memref_slice %arg13[%mul3A_0, %dma_start3A_52] : memref<10112x128xf32, #tpu.memory_space<vmem_shared>> -> memref<632x128xf32, #tpu.memory_space<vmem_shared>>
      tpu.enqueue_dma source(%arg5 : memref<632x128xf32, #tpu.memory_space<hbm>>) target(%dma_start3A_53 : memref<632x128xf32, #tpu.memory_space<vmem_shared>>) target_semaphore(%run_scoped3A : memref<!tpu.dma_semaphore, #tpu.memory_space<semaphore_mem>>)
      %dma_wait3A = arith.constant 0 : i32
      %dma_wait3A_54 = tpu.memref_slice %arg13[%mul3A_0, %dma_wait3A] : memref<10112x128xf32, #tpu.memory_space<vmem_shared>> -> memref<632x128xf32, #tpu.memory_space<vmem_shared>>
      tpu.wait_dma2 semaphore(%run_scoped3A : memref<!tpu.dma_semaphore, #tpu.memory_space<semaphore_mem>>) src(%arg5 : memref<632x128xf32, #tpu.memory_space<hbm>>) dst(%dma_wait3A_54 : memref<632x128xf32, #tpu.memory_space<vmem_shared>>)
      tpu.yield
    }) : () -> ()
    %barrier3A = arith.constant 0 : index
    tpu.barrier barrier_id(%barrier3A)
    %add3A_11 = arith.constant 0 : i32
    %add3A_12 = arith.addi %select_n3A, %add3A_11 : i32
    "tpu.region"() ({
      %run_scoped3A = tpu.sem_alloc : memref<!tpu.dma_semaphore, #tpu.memory_space<semaphore_mem>>
      %dma_start3A_52 = tpu.memref_slice %arg3[%add3A_12] : memref<327680xi32, #tpu.memory_space<hbm>> -> memref<128xi32, #tpu.memory_space<hbm>>
      %dma_start3A_53 = tpu.memref_slice %arg3[%add3A_12] : memref<327680xi32, #tpu.memory_space<hbm>> -> memref<128xi32, #tpu.memory_space<hbm>>
      tpu.enqueue_dma source(%dma_start3A_53 : memref<128xi32, #tpu.memory_space<hbm>>) target(%arg7 : memref<128xi32, #tpu.memory_space<vmem>>) target_semaphore(%run_scoped3A : memref<!tpu.dma_semaphore, #tpu.memory_space<semaphore_mem>>)
      %dma_wait3A = tpu.memref_slice %arg3[%add3A_12] : memref<327680xi32, #tpu.memory_space<hbm>> -> memref<128xi32, #tpu.memory_space<hbm>>
      %dma_wait3A_54 = tpu.memref_slice %arg3[%add3A_12] : memref<327680xi32, #tpu.memory_space<hbm>> -> memref<128xi32, #tpu.memory_space<hbm>>
      tpu.wait_dma2 semaphore(%run_scoped3A : memref<!tpu.dma_semaphore, #tpu.memory_space<semaphore_mem>>) src(%dma_wait3A_54 : memref<128xi32, #tpu.memory_space<hbm>>) dst(%arg7 : memref<128xi32, #tpu.memory_space<vmem>>)
      tpu.yield
    }) : () -> ()
    %add3A_13 = arith.constant 0 : i32
    %add3A_14 = arith.addi %select_n3A, %add3A_13 : i32
    "tpu.region"() ({
      %run_scoped3A = tpu.sem_alloc : memref<!tpu.dma_semaphore, #tpu.memory_space<semaphore_mem>>
      %dma_start3A_52 = tpu.memref_slice %arg4[%add3A_14] : memref<327680xi32, #tpu.memory_space<hbm>> -> memref<128xi32, #tpu.memory_space<hbm>>
      %dma_start3A_53 = tpu.memref_slice %arg4[%add3A_14] : memref<327680xi32, #tpu.memory_space<hbm>> -> memref<128xi32, #tpu.memory_space<hbm>>
      tpu.enqueue_dma source(%dma_start3A_53 : memref<128xi32, #tpu.memory_space<hbm>>) target(%arg9 : memref<128xi32, #tpu.memory_space<vmem>>) target_semaphore(%run_scoped3A : memref<!tpu.dma_semaphore, #tpu.memory_space<semaphore_mem>>)
      %dma_wait3A = tpu.memref_slice %arg4[%add3A_14] : memref<327680xi32, #tpu.memory_space<hbm>> -> memref<128xi32, #tpu.memory_space<hbm>>
      %dma_wait3A_54 = tpu.memref_slice %arg4[%add3A_14] : memref<327680xi32, #tpu.memory_space<hbm>> -> memref<128xi32, #tpu.memory_space<hbm>>
      tpu.wait_dma2 semaphore(%run_scoped3A : memref<!tpu.dma_semaphore, #tpu.memory_space<semaphore_mem>>) src(%dma_wait3A_54 : memref<128xi32, #tpu.memory_space<hbm>>) dst(%arg9 : memref<128xi32, #tpu.memory_space<vmem>>)
      tpu.yield
    }) : () -> ()
    %dma_start3A = arith.constant 0 : i32
    %dma_start3A_15 = arith.constant 0 : i32
    %dma_start3A_16 = tpu.memref_slice %arg2[%dma_start3A, %dma_start3A_15] : memref<10112x128xf32, #tpu.memory_space<hbm>> -> memref<10112x128xf32, #tpu.memory_space<hbm>>
    tpu.enqueue_indirect_dma source(%dma_start3A_16 : memref<10112x128xf32, #tpu.memory_space<hbm>>) target(%arg11 : memref<128x128xf32, #tpu.memory_space<vmem>>) offsets(%arg7 : memref<128xi32, #tpu.memory_space<vmem>>) semaphore(%arg14 : memref<!tpu.dma_semaphore, #tpu.memory_space<semaphore_mem>>)
    %add3A_17 = arith.constant 128 : i32
    %add3A_18 = arith.addi %select_n3A, %add3A_17 : i32
    "tpu.region"() ({
      %run_scoped3A = tpu.sem_alloc : memref<!tpu.dma_semaphore, #tpu.memory_space<semaphore_mem>>
      %dma_start3A_52 = tpu.memref_slice %arg3[%add3A_18] : memref<327680xi32, #tpu.memory_space<hbm>> -> memref<128xi32, #tpu.memory_space<hbm>>
      %dma_start3A_53 = tpu.memref_slice %arg3[%add3A_18] : memref<327680xi32, #tpu.memory_space<hbm>> -> memref<128xi32, #tpu.memory_space<hbm>>
      tpu.enqueue_dma source(%dma_start3A_53 : memref<128xi32, #tpu.memory_space<hbm>>) target(%arg8 : memref<128xi32, #tpu.memory_space<vmem>>) target_semaphore(%run_scoped3A : memref<!tpu.dma_semaphore, #tpu.memory_space<semaphore_mem>>)
      %dma_wait3A = tpu.memref_slice %arg3[%add3A_18] : memref<327680xi32, #tpu.memory_space<hbm>> -> memref<128xi32, #tpu.memory_space<hbm>>
      %dma_wait3A_54 = tpu.memref_slice %arg3[%add3A_18] : memref<327680xi32, #tpu.memory_space<hbm>> -> memref<128xi32, #tpu.memory_space<hbm>>
      tpu.wait_dma2 semaphore(%run_scoped3A : memref<!tpu.dma_semaphore, #tpu.memory_space<semaphore_mem>>) src(%dma_wait3A_54 : memref<128xi32, #tpu.memory_space<hbm>>) dst(%arg8 : memref<128xi32, #tpu.memory_space<vmem>>)
      tpu.yield
    }) : () -> ()
    %add3A_19 = arith.constant 128 : i32
    %add3A_20 = arith.addi %select_n3A, %add3A_19 : i32
    "tpu.region"() ({
      %run_scoped3A = tpu.sem_alloc : memref<!tpu.dma_semaphore, #tpu.memory_space<semaphore_mem>>
      %dma_start3A_52 = tpu.memref_slice %arg4[%add3A_20] : memref<327680xi32, #tpu.memory_space<hbm>> -> memref<128xi32, #tpu.memory_space<hbm>>
      %dma_start3A_53 = tpu.memref_slice %arg4[%add3A_20] : memref<327680xi32, #tpu.memory_space<hbm>> -> memref<128xi32, #tpu.memory_space<hbm>>
      tpu.enqueue_dma source(%dma_start3A_53 : memref<128xi32, #tpu.memory_space<hbm>>) target(%arg10 : memref<128xi32, #tpu.memory_space<vmem>>) target_semaphore(%run_scoped3A : memref<!tpu.dma_semaphore, #tpu.memory_space<semaphore_mem>>)
      %dma_wait3A = tpu.memref_slice %arg4[%add3A_20] : memref<327680xi32, #tpu.memory_space<hbm>> -> memref<128xi32, #tpu.memory_space<hbm>>
      %dma_wait3A_54 = tpu.memref_slice %arg4[%add3A_20] : memref<327680xi32, #tpu.memory_space<hbm>> -> memref<128xi32, #tpu.memory_space<hbm>>
      tpu.wait_dma2 semaphore(%run_scoped3A : memref<!tpu.dma_semaphore, #tpu.memory_space<semaphore_mem>>) src(%dma_wait3A_54 : memref<128xi32, #tpu.memory_space<hbm>>) dst(%arg10 : memref<128xi32, #tpu.memory_space<vmem>>)
      tpu.yield
    }) : () -> ()
    %dma_start3A_21 = arith.constant 0 : i32
    %dma_start3A_22 = arith.constant 0 : i32
    %dma_start3A_23 = tpu.memref_slice %arg2[%dma_start3A_21, %dma_start3A_22] : memref<10112x128xf32, #tpu.memory_space<hbm>> -> memref<10112x128xf32, #tpu.memory_space<hbm>>
    tpu.enqueue_indirect_dma source(%dma_start3A_23 : memref<10112x128xf32, #tpu.memory_space<hbm>>) target(%arg12 : memref<128x128xf32, #tpu.memory_space<vmem>>) offsets(%arg8 : memref<128xi32, #tpu.memory_space<vmem>>) semaphore(%arg15 : memref<!tpu.dma_semaphore, #tpu.memory_space<semaphore_mem>>)
    %jit3A_24 = arith.constant 2 : i32
    %div3A = arith.divsi %select_n3A_10, %jit3A_24 : i32
    %sign3A = arith.constant 0 : i32
    %sign3A_25 = arith.cmpi sgt, %select_n3A_10, %sign3A : i32
    %sign3A_26 = arith.extui %sign3A_25 : i1 to i32
    %sign3A_27 = arith.constant 0 : i32
    %sign3A_28 = arith.cmpi slt, %select_n3A_10, %sign3A_27 : i32
    %sign3A_29 = arith.extui %sign3A_28 : i1 to i32
    %sign3A_30 = arith.subi %sign3A_26, %sign3A_29 : i32
    %sign3A_31 = arith.constant 0 : i32
    %sign3A_32 = arith.cmpi sgt, %jit3A_24, %sign3A_31 : i32
    %sign3A_33 = arith.extui %sign3A_32 : i1 to i32
    %sign3A_34 = arith.constant 0 : i32
    %sign3A_35 = arith.cmpi slt, %jit3A_24, %sign3A_34 : i32
    %sign3A_36 = arith.extui %sign3A_35 : i1 to i32
    %sign3A_37 = arith.subi %sign3A_33, %sign3A_36 : i32
    %ne3A = arith.cmpi ne, %sign3A_30, %sign3A_37 : i32
    %rem3A = arith.remsi %select_n3A_10, %jit3A_24 : i32
    %ne3A_38 = arith.constant 0 : i32
    %ne3A_39 = arith.cmpi ne, %rem3A, %ne3A_38 : i32
    %and3A = arith.andi %ne3A, %ne3A_39 : i1
    %sub3A = arith.constant 1 : i32
    %sub3A_40 = arith.subi %div3A, %sub3A : i32
    %select_n3A_41 = arith.select %and3A, %sub3A_40, %div3A : i32
    %while3A = arith.constant 0 : i32
    %while3A_42 = arith.constant 0 : i32
    %while3A_43 = arith.subi %select_n3A_41, %while3A_42 : i32
    %while3A_44 = arith.addi %while3A_42, %while3A_43 : i32
    %while3A_45 = arith.constant 1 : i32
    %while3A_46 = arith.divsi %while3A_43, %while3A_45 : i32
    %while3A_47 = arith.muli %while3A_46, %while3A_45 : i32
    %while3A_48 = arith.addi %while3A_42, %while3A_47 : i32
    %while3A_49 = arith.constant 1 : i32
    scf.for %while3A_52 = %while3A_42 to %while3A_48 step %while3A_49  : i32 {
      %mul3A_53 = arith.constant 2 : i32
      %mul3A_54 = arith.muli %while3A_52, %mul3A_53 : i32
      %add3A_55 = arith.constant 0 : i32
      %add3A_56 = arith.addi %mul3A_54, %add3A_55 : i32
      %dma_wait3A = arith.constant 0 : i32
      %dma_wait3A_57 = arith.constant 0 : i32
      %dma_wait3A_58 = tpu.memref_slice %arg2[%dma_wait3A, %dma_wait3A_57] : memref<10112x128xf32, #tpu.memory_space<hbm>> -> memref<10112x128xf32, #tpu.memory_space<hbm>>
      tpu.wait_indirect_dma semaphore(%arg14 : memref<!tpu.dma_semaphore, #tpu.memory_space<semaphore_mem>>) src(%dma_wait3A_58 : memref<10112x128xf32, #tpu.memory_space<hbm>>) dst(%arg11 : memref<128x128xf32, #tpu.memory_space<vmem>>)
      "tpu.region"() ({
        %run_scoped3A = tpu.sem_alloc : memref<!tpu.dma_semaphore, #tpu.memory_space<semaphore_mem>>
        %dma_start3A_73 = arith.constant 0 : i32
        %dma_start3A_74 = arith.constant 0 : i32
        %dma_start3A_75 = tpu.memref_slice %arg13[%dma_start3A_73, %dma_start3A_74] : memref<10112x128xf32, #tpu.memory_space<vmem_shared>> -> memref<10112x128xf32, #tpu.memory_space<vmem_shared>>
        tpu.enqueue_indirect_dma source(%arg11 : memref<128x128xf32, #tpu.memory_space<vmem>>) target(%dma_start3A_75 : memref<10112x128xf32, #tpu.memory_space<vmem_shared>>) offsets(%arg9 : memref<128xi32, #tpu.memory_space<vmem>>) semaphore(%run_scoped3A : memref<!tpu.dma_semaphore, #tpu.memory_space<semaphore_mem>>) {add = true}
        %dma_wait3A_76 = arith.constant 0 : i32
        %dma_wait3A_77 = arith.constant 0 : i32
        %dma_wait3A_78 = tpu.memref_slice %arg13[%dma_wait3A_76, %dma_wait3A_77] : memref<10112x128xf32, #tpu.memory_space<vmem_shared>> -> memref<10112x128xf32, #tpu.memory_space<vmem_shared>>
        tpu.wait_indirect_dma semaphore(%run_scoped3A : memref<!tpu.dma_semaphore, #tpu.memory_space<semaphore_mem>>) src(%arg11 : memref<128x128xf32, #tpu.memory_space<vmem>>) dst(%dma_wait3A_78 : memref<10112x128xf32, #tpu.memory_space<vmem_shared>>)
        tpu.yield
      }) : () -> ()
      %add3A_59 = arith.constant 2 : i32
      %add3A_60 = arith.addi %add3A_56, %add3A_59 : i32
      %lt3A = arith.cmpi slt, %add3A_60, %select_n3A_10 : i32
      %convert_element_type3A = arith.extui %lt3A : i1 to i32
      %cond3A = arith.constant 0 : i32
      %cond3A_61 = arith.cmpi ne, %convert_element_type3A, %cond3A : i32
      scf.if %cond3A_61 {
        %add3A_73 = arith.constant 2 : i32
        %add3A_74 = arith.addi %add3A_56, %add3A_73 : i32
        %mul3A_75 = arith.constant 128 : i32
        %mul3A_76 = arith.muli %add3A_74, %mul3A_75 : i32
        %add3A_77 = arith.addi %select_n3A, %mul3A_76 : i32
        "tpu.region"() ({
          %run_scoped3A = tpu.sem_alloc : memref<!tpu.dma_semaphore, #tpu.memory_space<semaphore_mem>>
          %dma_start3A_81 = tpu.memref_slice %arg3[%add3A_77] : memref<327680xi32, #tpu.memory_space<hbm>> -> memref<128xi32, #tpu.memory_space<hbm>>
          %dma_start3A_82 = tpu.memref_slice %arg3[%add3A_77] : memref<327680xi32, #tpu.memory_space<hbm>> -> memref<128xi32, #tpu.memory_space<hbm>>
          tpu.enqueue_dma source(%dma_start3A_82 : memref<128xi32, #tpu.memory_space<hbm>>) target(%arg7 : memref<128xi32, #tpu.memory_space<vmem>>) target_semaphore(%run_scoped3A : memref<!tpu.dma_semaphore, #tpu.memory_space<semaphore_mem>>)
          %dma_wait3A_83 = tpu.memref_slice %arg3[%add3A_77] : memref<327680xi32, #tpu.memory_space<hbm>> -> memref<128xi32, #tpu.memory_space<hbm>>
          %dma_wait3A_84 = tpu.memref_slice %arg3[%add3A_77] : memref<327680xi32, #tpu.memory_space<hbm>> -> memref<128xi32, #tpu.memory_space<hbm>>
          tpu.wait_dma2 semaphore(%run_scoped3A : memref<!tpu.dma_semaphore, #tpu.memory_space<semaphore_mem>>) src(%dma_wait3A_84 : memref<128xi32, #tpu.memory_space<hbm>>) dst(%arg7 : memref<128xi32, #tpu.memory_space<vmem>>)
          tpu.yield
        }) : () -> ()
        "tpu.region"() ({
          %run_scoped3A = tpu.sem_alloc : memref<!tpu.dma_semaphore, #tpu.memory_space<semaphore_mem>>
          %dma_start3A_81 = tpu.memref_slice %arg4[%add3A_77] : memref<327680xi32, #tpu.memory_space<hbm>> -> memref<128xi32, #tpu.memory_space<hbm>>
          %dma_start3A_82 = tpu.memref_slice %arg4[%add3A_77] : memref<327680xi32, #tpu.memory_space<hbm>> -> memref<128xi32, #tpu.memory_space<hbm>>
          tpu.enqueue_dma source(%dma_start3A_82 : memref<128xi32, #tpu.memory_space<hbm>>) target(%arg9 : memref<128xi32, #tpu.memory_space<vmem>>) target_semaphore(%run_scoped3A : memref<!tpu.dma_semaphore, #tpu.memory_space<semaphore_mem>>)
          %dma_wait3A_83 = tpu.memref_slice %arg4[%add3A_77] : memref<327680xi32, #tpu.memory_space<hbm>> -> memref<128xi32, #tpu.memory_space<hbm>>
          %dma_wait3A_84 = tpu.memref_slice %arg4[%add3A_77] : memref<327680xi32, #tpu.memory_space<hbm>> -> memref<128xi32, #tpu.memory_space<hbm>>
          tpu.wait_dma2 semaphore(%run_scoped3A : memref<!tpu.dma_semaphore, #tpu.memory_space<semaphore_mem>>) src(%dma_wait3A_84 : memref<128xi32, #tpu.memory_space<hbm>>) dst(%arg9 : memref<128xi32, #tpu.memory_space<vmem>>)
          tpu.yield
        }) : () -> ()
        %dma_start3A_78 = arith.constant 0 : i32
        %dma_start3A_79 = arith.constant 0 : i32
        %dma_start3A_80 = tpu.memref_slice %arg2[%dma_start3A_78, %dma_start3A_79] : memref<10112x128xf32, #tpu.memory_space<hbm>> -> memref<10112x128xf32, #tpu.memory_space<hbm>>
        tpu.enqueue_indirect_dma source(%dma_start3A_80 : memref<10112x128xf32, #tpu.memory_space<hbm>>) target(%arg11 : memref<128x128xf32, #tpu.memory_space<vmem>>) offsets(%arg7 : memref<128xi32, #tpu.memory_space<vmem>>) semaphore(%arg14 : memref<!tpu.dma_semaphore, #tpu.memory_space<semaphore_mem>>)
      } else {
      }
      %add3A_62 = arith.constant 1 : i32
      %add3A_63 = arith.addi %mul3A_54, %add3A_62 : i32
      %dma_wait3A_64 = arith.constant 0 : i32
      %dma_wait3A_65 = arith.constant 0 : i32
      %dma_wait3A_66 = tpu.memref_slice %arg2[%dma_wait3A_64, %dma_wait3A_65] : memref<10112x128xf32, #tpu.memory_space<hbm>> -> memref<10112x128xf32, #tpu.memory_space<hbm>>
      tpu.wait_indirect_dma semaphore(%arg15 : memref<!tpu.dma_semaphore, #tpu.memory_space<semaphore_mem>>) src(%dma_wait3A_66 : memref<10112x128xf32, #tpu.memory_space<hbm>>) dst(%arg12 : memref<128x128xf32, #tpu.memory_space<vmem>>)
      "tpu.region"() ({
        %run_scoped3A = tpu.sem_alloc : memref<!tpu.dma_semaphore, #tpu.memory_space<semaphore_mem>>
        %dma_start3A_73 = arith.constant 0 : i32
        %dma_start3A_74 = arith.constant 0 : i32
        %dma_start3A_75 = tpu.memref_slice %arg13[%dma_start3A_73, %dma_start3A_74] : memref<10112x128xf32, #tpu.memory_space<vmem_shared>> -> memref<10112x128xf32, #tpu.memory_space<vmem_shared>>
        tpu.enqueue_indirect_dma source(%arg12 : memref<128x128xf32, #tpu.memory_space<vmem>>) target(%dma_start3A_75 : memref<10112x128xf32, #tpu.memory_space<vmem_shared>>) offsets(%arg10 : memref<128xi32, #tpu.memory_space<vmem>>) semaphore(%run_scoped3A : memref<!tpu.dma_semaphore, #tpu.memory_space<semaphore_mem>>) {add = true}
        %dma_wait3A_76 = arith.constant 0 : i32
        %dma_wait3A_77 = arith.constant 0 : i32
        %dma_wait3A_78 = tpu.memref_slice %arg13[%dma_wait3A_76, %dma_wait3A_77] : memref<10112x128xf32, #tpu.memory_space<vmem_shared>> -> memref<10112x128xf32, #tpu.memory_space<vmem_shared>>
        tpu.wait_indirect_dma semaphore(%run_scoped3A : memref<!tpu.dma_semaphore, #tpu.memory_space<semaphore_mem>>) src(%arg12 : memref<128x128xf32, #tpu.memory_space<vmem>>) dst(%dma_wait3A_78 : memref<10112x128xf32, #tpu.memory_space<vmem_shared>>)
        tpu.yield
      }) : () -> ()
      %add3A_67 = arith.constant 2 : i32
      %add3A_68 = arith.addi %add3A_63, %add3A_67 : i32
      %lt3A_69 = arith.cmpi slt, %add3A_68, %select_n3A_10 : i32
      %convert_element_type3A_70 = arith.extui %lt3A_69 : i1 to i32
      %cond3A_71 = arith.constant 0 : i32
      %cond3A_72 = arith.cmpi ne, %convert_element_type3A_70, %cond3A_71 : i32
      scf.if %cond3A_72 {
        %add3A_73 = arith.constant 2 : i32
        %add3A_74 = arith.addi %add3A_63, %add3A_73 : i32
        %mul3A_75 = arith.constant 128 : i32
        %mul3A_76 = arith.muli %add3A_74, %mul3A_75 : i32
        %add3A_77 = arith.addi %select_n3A, %mul3A_76 : i32
        "tpu.region"() ({
          %run_scoped3A = tpu.sem_alloc : memref<!tpu.dma_semaphore, #tpu.memory_space<semaphore_mem>>
          %dma_start3A_81 = tpu.memref_slice %arg3[%add3A_77] : memref<327680xi32, #tpu.memory_space<hbm>> -> memref<128xi32, #tpu.memory_space<hbm>>
          %dma_start3A_82 = tpu.memref_slice %arg3[%add3A_77] : memref<327680xi32, #tpu.memory_space<hbm>> -> memref<128xi32, #tpu.memory_space<hbm>>
          tpu.enqueue_dma source(%dma_start3A_82 : memref<128xi32, #tpu.memory_space<hbm>>) target(%arg8 : memref<128xi32, #tpu.memory_space<vmem>>) target_semaphore(%run_scoped3A : memref<!tpu.dma_semaphore, #tpu.memory_space<semaphore_mem>>)
          %dma_wait3A_83 = tpu.memref_slice %arg3[%add3A_77] : memref<327680xi32, #tpu.memory_space<hbm>> -> memref<128xi32, #tpu.memory_space<hbm>>
          %dma_wait3A_84 = tpu.memref_slice %arg3[%add3A_77] : memref<327680xi32, #tpu.memory_space<hbm>> -> memref<128xi32, #tpu.memory_space<hbm>>
          tpu.wait_dma2 semaphore(%run_scoped3A : memref<!tpu.dma_semaphore, #tpu.memory_space<semaphore_mem>>) src(%dma_wait3A_84 : memref<128xi32, #tpu.memory_space<hbm>>) dst(%arg8 : memref<128xi32, #tpu.memory_space<vmem>>)
          tpu.yield
        }) : () -> ()
        "tpu.region"() ({
          %run_scoped3A = tpu.sem_alloc : memref<!tpu.dma_semaphore, #tpu.memory_space<semaphore_mem>>
          %dma_start3A_81 = tpu.memref_slice %arg4[%add3A_77] : memref<327680xi32, #tpu.memory_space<hbm>> -> memref<128xi32, #tpu.memory_space<hbm>>
          %dma_start3A_82 = tpu.memref_slice %arg4[%add3A_77] : memref<327680xi32, #tpu.memory_space<hbm>> -> memref<128xi32, #tpu.memory_space<hbm>>
          tpu.enqueue_dma source(%dma_start3A_82 : memref<128xi32, #tpu.memory_space<hbm>>) target(%arg10 : memref<128xi32, #tpu.memory_space<vmem>>) target_semaphore(%run_scoped3A : memref<!tpu.dma_semaphore, #tpu.memory_space<semaphore_mem>>)
          %dma_wait3A_83 = tpu.memref_slice %arg4[%add3A_77] : memref<327680xi32, #tpu.memory_space<hbm>> -> memref<128xi32, #tpu.memory_space<hbm>>
          %dma_wait3A_84 = tpu.memref_slice %arg4[%add3A_77] : memref<327680xi32, #tpu.memory_space<hbm>> -> memref<128xi32, #tpu.memory_space<hbm>>
          tpu.wait_dma2 semaphore(%run_scoped3A : memref<!tpu.dma_semaphore, #tpu.memory_space<semaphore_mem>>) src(%dma_wait3A_84 : memref<128xi32, #tpu.memory_space<hbm>>) dst(%arg10 : memref<128xi32, #tpu.memory_space<vmem>>)
          tpu.yield
        }) : () -> ()
        %dma_start3A_78 = arith.constant 0 : i32
        %dma_start3A_79 = arith.constant 0 : i32
        %dma_start3A_80 = tpu.memref_slice %arg2[%dma_start3A_78, %dma_start3A_79] : memref<10112x128xf32, #tpu.memory_space<hbm>> -> memref<10112x128xf32, #tpu.memory_space<hbm>>
        tpu.enqueue_indirect_dma source(%dma_start3A_80 : memref<10112x128xf32, #tpu.memory_space<hbm>>) target(%arg12 : memref<128x128xf32, #tpu.memory_space<vmem>>) offsets(%arg8 : memref<128xi32, #tpu.memory_space<vmem>>) semaphore(%arg15 : memref<!tpu.dma_semaphore, #tpu.memory_space<semaphore_mem>>)
      } else {
      }
    }
    %while3A_50 = arith.constant 1 : i32
    scf.for %while3A_52 = %while3A_48 to %while3A_44 step %while3A_50  : i32 {
      %mul3A_53 = arith.constant 2 : i32
      %mul3A_54 = arith.muli %while3A_52, %mul3A_53 : i32
      %add3A_55 = arith.constant 0 : i32
      %add3A_56 = arith.addi %mul3A_54, %add3A_55 : i32
      %dma_wait3A = arith.constant 0 : i32
      %dma_wait3A_57 = arith.constant 0 : i32
      %dma_wait3A_58 = tpu.memref_slice %arg2[%dma_wait3A, %dma_wait3A_57] : memref<10112x128xf32, #tpu.memory_space<hbm>> -> memref<10112x128xf32, #tpu.memory_space<hbm>>
      tpu.wait_indirect_dma semaphore(%arg14 : memref<!tpu.dma_semaphore, #tpu.memory_space<semaphore_mem>>) src(%dma_wait3A_58 : memref<10112x128xf32, #tpu.memory_space<hbm>>) dst(%arg11 : memref<128x128xf32, #tpu.memory_space<vmem>>)
      "tpu.region"() ({
        %run_scoped3A = tpu.sem_alloc : memref<!tpu.dma_semaphore, #tpu.memory_space<semaphore_mem>>
        %dma_start3A_73 = arith.constant 0 : i32
        %dma_start3A_74 = arith.constant 0 : i32
        %dma_start3A_75 = tpu.memref_slice %arg13[%dma_start3A_73, %dma_start3A_74] : memref<10112x128xf32, #tpu.memory_space<vmem_shared>> -> memref<10112x128xf32, #tpu.memory_space<vmem_shared>>
        tpu.enqueue_indirect_dma source(%arg11 : memref<128x128xf32, #tpu.memory_space<vmem>>) target(%dma_start3A_75 : memref<10112x128xf32, #tpu.memory_space<vmem_shared>>) offsets(%arg9 : memref<128xi32, #tpu.memory_space<vmem>>) semaphore(%run_scoped3A : memref<!tpu.dma_semaphore, #tpu.memory_space<semaphore_mem>>) {add = true}
        %dma_wait3A_76 = arith.constant 0 : i32
        %dma_wait3A_77 = arith.constant 0 : i32
        %dma_wait3A_78 = tpu.memref_slice %arg13[%dma_wait3A_76, %dma_wait3A_77] : memref<10112x128xf32, #tpu.memory_space<vmem_shared>> -> memref<10112x128xf32, #tpu.memory_space<vmem_shared>>
        tpu.wait_indirect_dma semaphore(%run_scoped3A : memref<!tpu.dma_semaphore, #tpu.memory_space<semaphore_mem>>) src(%arg11 : memref<128x128xf32, #tpu.memory_space<vmem>>) dst(%dma_wait3A_78 : memref<10112x128xf32, #tpu.memory_space<vmem_shared>>)
        tpu.yield
      }) : () -> ()
      %add3A_59 = arith.constant 2 : i32
      %add3A_60 = arith.addi %add3A_56, %add3A_59 : i32
      %lt3A = arith.cmpi slt, %add3A_60, %select_n3A_10 : i32
      %convert_element_type3A = arith.extui %lt3A : i1 to i32
      %cond3A = arith.constant 0 : i32
      %cond3A_61 = arith.cmpi ne, %convert_element_type3A, %cond3A : i32
      scf.if %cond3A_61 {
        %add3A_73 = arith.constant 2 : i32
        %add3A_74 = arith.addi %add3A_56, %add3A_73 : i32
        %mul3A_75 = arith.constant 128 : i32
        %mul3A_76 = arith.muli %add3A_74, %mul3A_75 : i32
        %add3A_77 = arith.addi %select_n3A, %mul3A_76 : i32
        "tpu.region"() ({
          %run_scoped3A = tpu.sem_alloc : memref<!tpu.dma_semaphore, #tpu.memory_space<semaphore_mem>>
          %dma_start3A_81 = tpu.memref_slice %arg3[%add3A_77] : memref<327680xi32, #tpu.memory_space<hbm>> -> memref<128xi32, #tpu.memory_space<hbm>>
          %dma_start3A_82 = tpu.memref_slice %arg3[%add3A_77] : memref<327680xi32, #tpu.memory_space<hbm>> -> memref<128xi32, #tpu.memory_space<hbm>>
          tpu.enqueue_dma source(%dma_start3A_82 : memref<128xi32, #tpu.memory_space<hbm>>) target(%arg7 : memref<128xi32, #tpu.memory_space<vmem>>) target_semaphore(%run_scoped3A : memref<!tpu.dma_semaphore, #tpu.memory_space<semaphore_mem>>)
          %dma_wait3A_83 = tpu.memref_slice %arg3[%add3A_77] : memref<327680xi32, #tpu.memory_space<hbm>> -> memref<128xi32, #tpu.memory_space<hbm>>
          %dma_wait3A_84 = tpu.memref_slice %arg3[%add3A_77] : memref<327680xi32, #tpu.memory_space<hbm>> -> memref<128xi32, #tpu.memory_space<hbm>>
          tpu.wait_dma2 semaphore(%run_scoped3A : memref<!tpu.dma_semaphore, #tpu.memory_space<semaphore_mem>>) src(%dma_wait3A_84 : memref<128xi32, #tpu.memory_space<hbm>>) dst(%arg7 : memref<128xi32, #tpu.memory_space<vmem>>)
          tpu.yield
        }) : () -> ()
        "tpu.region"() ({
          %run_scoped3A = tpu.sem_alloc : memref<!tpu.dma_semaphore, #tpu.memory_space<semaphore_mem>>
          %dma_start3A_81 = tpu.memref_slice %arg4[%add3A_77] : memref<327680xi32, #tpu.memory_space<hbm>> -> memref<128xi32, #tpu.memory_space<hbm>>
          %dma_start3A_82 = tpu.memref_slice %arg4[%add3A_77] : memref<327680xi32, #tpu.memory_space<hbm>> -> memref<128xi32, #tpu.memory_space<hbm>>
          tpu.enqueue_dma source(%dma_start3A_82 : memref<128xi32, #tpu.memory_space<hbm>>) target(%arg9 : memref<128xi32, #tpu.memory_space<vmem>>) target_semaphore(%run_scoped3A : memref<!tpu.dma_semaphore, #tpu.memory_space<semaphore_mem>>)
          %dma_wait3A_83 = tpu.memref_slice %arg4[%add3A_77] : memref<327680xi32, #tpu.memory_space<hbm>> -> memref<128xi32, #tpu.memory_space<hbm>>
          %dma_wait3A_84 = tpu.memref_slice %arg4[%add3A_77] : memref<327680xi32, #tpu.memory_space<hbm>> -> memref<128xi32, #tpu.memory_space<hbm>>
          tpu.wait_dma2 semaphore(%run_scoped3A : memref<!tpu.dma_semaphore, #tpu.memory_space<semaphore_mem>>) src(%dma_wait3A_84 : memref<128xi32, #tpu.memory_space<hbm>>) dst(%arg9 : memref<128xi32, #tpu.memory_space<vmem>>)
          tpu.yield
        }) : () -> ()
        %dma_start3A_78 = arith.constant 0 : i32
        %dma_start3A_79 = arith.constant 0 : i32
        %dma_start3A_80 = tpu.memref_slice %arg2[%dma_start3A_78, %dma_start3A_79] : memref<10112x128xf32, #tpu.memory_space<hbm>> -> memref<10112x128xf32, #tpu.memory_space<hbm>>
        tpu.enqueue_indirect_dma source(%dma_start3A_80 : memref<10112x128xf32, #tpu.memory_space<hbm>>) target(%arg11 : memref<128x128xf32, #tpu.memory_space<vmem>>) offsets(%arg7 : memref<128xi32, #tpu.memory_space<vmem>>) semaphore(%arg14 : memref<!tpu.dma_semaphore, #tpu.memory_space<semaphore_mem>>)
      } else {
      }
      %add3A_62 = arith.constant 1 : i32
      %add3A_63 = arith.addi %mul3A_54, %add3A_62 : i32
      %dma_wait3A_64 = arith.constant 0 : i32
      %dma_wait3A_65 = arith.constant 0 : i32
      %dma_wait3A_66 = tpu.memref_slice %arg2[%dma_wait3A_64, %dma_wait3A_65] : memref<10112x128xf32, #tpu.memory_space<hbm>> -> memref<10112x128xf32, #tpu.memory_space<hbm>>
      tpu.wait_indirect_dma semaphore(%arg15 : memref<!tpu.dma_semaphore, #tpu.memory_space<semaphore_mem>>) src(%dma_wait3A_66 : memref<10112x128xf32, #tpu.memory_space<hbm>>) dst(%arg12 : memref<128x128xf32, #tpu.memory_space<vmem>>)
      "tpu.region"() ({
        %run_scoped3A = tpu.sem_alloc : memref<!tpu.dma_semaphore, #tpu.memory_space<semaphore_mem>>
        %dma_start3A_73 = arith.constant 0 : i32
        %dma_start3A_74 = arith.constant 0 : i32
        %dma_start3A_75 = tpu.memref_slice %arg13[%dma_start3A_73, %dma_start3A_74] : memref<10112x128xf32, #tpu.memory_space<vmem_shared>> -> memref<10112x128xf32, #tpu.memory_space<vmem_shared>>
        tpu.enqueue_indirect_dma source(%arg12 : memref<128x128xf32, #tpu.memory_space<vmem>>) target(%dma_start3A_75 : memref<10112x128xf32, #tpu.memory_space<vmem_shared>>) offsets(%arg10 : memref<128xi32, #tpu.memory_space<vmem>>) semaphore(%run_scoped3A : memref<!tpu.dma_semaphore, #tpu.memory_space<semaphore_mem>>) {add = true}
        %dma_wait3A_76 = arith.constant 0 : i32
        %dma_wait3A_77 = arith.constant 0 : i32
        %dma_wait3A_78 = tpu.memref_slice %arg13[%dma_wait3A_76, %dma_wait3A_77] : memref<10112x128xf32, #tpu.memory_space<vmem_shared>> -> memref<10112x128xf32, #tpu.memory_space<vmem_shared>>
        tpu.wait_indirect_dma semaphore(%run_scoped3A : memref<!tpu.dma_semaphore, #tpu.memory_space<semaphore_mem>>) src(%arg12 : memref<128x128xf32, #tpu.memory_space<vmem>>) dst(%dma_wait3A_78 : memref<10112x128xf32, #tpu.memory_space<vmem_shared>>)
        tpu.yield
      }) : () -> ()
      %add3A_67 = arith.constant 2 : i32
      %add3A_68 = arith.addi %add3A_63, %add3A_67 : i32
      %lt3A_69 = arith.cmpi slt, %add3A_68, %select_n3A_10 : i32
      %convert_element_type3A_70 = arith.extui %lt3A_69 : i1 to i32
      %cond3A_71 = arith.constant 0 : i32
      %cond3A_72 = arith.cmpi ne, %convert_element_type3A_70, %cond3A_71 : i32
      scf.if %cond3A_72 {
        %add3A_73 = arith.constant 2 : i32
        %add3A_74 = arith.addi %add3A_63, %add3A_73 : i32
        %mul3A_75 = arith.constant 128 : i32
        %mul3A_76 = arith.muli %add3A_74, %mul3A_75 : i32
        %add3A_77 = arith.addi %select_n3A, %mul3A_76 : i32
        "tpu.region"() ({
          %run_scoped3A = tpu.sem_alloc : memref<!tpu.dma_semaphore, #tpu.memory_space<semaphore_mem>>
          %dma_start3A_81 = tpu.memref_slice %arg3[%add3A_77] : memref<327680xi32, #tpu.memory_space<hbm>> -> memref<128xi32, #tpu.memory_space<hbm>>
          %dma_start3A_82 = tpu.memref_slice %arg3[%add3A_77] : memref<327680xi32, #tpu.memory_space<hbm>> -> memref<128xi32, #tpu.memory_space<hbm>>
          tpu.enqueue_dma source(%dma_start3A_82 : memref<128xi32, #tpu.memory_space<hbm>>) target(%arg8 : memref<128xi32, #tpu.memory_space<vmem>>) target_semaphore(%run_scoped3A : memref<!tpu.dma_semaphore, #tpu.memory_space<semaphore_mem>>)
          %dma_wait3A_83 = tpu.memref_slice %arg3[%add3A_77] : memref<327680xi32, #tpu.memory_space<hbm>> -> memref<128xi32, #tpu.memory_space<hbm>>
          %dma_wait3A_84 = tpu.memref_slice %arg3[%add3A_77] : memref<327680xi32, #tpu.memory_space<hbm>> -> memref<128xi32, #tpu.memory_space<hbm>>
          tpu.wait_dma2 semaphore(%run_scoped3A : memref<!tpu.dma_semaphore, #tpu.memory_space<semaphore_mem>>) src(%dma_wait3A_84 : memref<128xi32, #tpu.memory_space<hbm>>) dst(%arg8 : memref<128xi32, #tpu.memory_space<vmem>>)
          tpu.yield
        }) : () -> ()
        "tpu.region"() ({
          %run_scoped3A = tpu.sem_alloc : memref<!tpu.dma_semaphore, #tpu.memory_space<semaphore_mem>>
          %dma_start3A_81 = tpu.memref_slice %arg4[%add3A_77] : memref<327680xi32, #tpu.memory_space<hbm>> -> memref<128xi32, #tpu.memory_space<hbm>>
          %dma_start3A_82 = tpu.memref_slice %arg4[%add3A_77] : memref<327680xi32, #tpu.memory_space<hbm>> -> memref<128xi32, #tpu.memory_space<hbm>>
          tpu.enqueue_dma source(%dma_start3A_82 : memref<128xi32, #tpu.memory_space<hbm>>) target(%arg10 : memref<128xi32, #tpu.memory_space<vmem>>) target_semaphore(%run_scoped3A : memref<!tpu.dma_semaphore, #tpu.memory_space<semaphore_mem>>)
          %dma_wait3A_83 = tpu.memref_slice %arg4[%add3A_77] : memref<327680xi32, #tpu.memory_space<hbm>> -> memref<128xi32, #tpu.memory_space<hbm>>
          %dma_wait3A_84 = tpu.memref_slice %arg4[%add3A_77] : memref<327680xi32, #tpu.memory_space<hbm>> -> memref<128xi32, #tpu.memory_space<hbm>>
          tpu.wait_dma2 semaphore(%run_scoped3A : memref<!tpu.dma_semaphore, #tpu.memory_space<semaphore_mem>>) src(%dma_wait3A_84 : memref<128xi32, #tpu.memory_space<hbm>>) dst(%arg10 : memref<128xi32, #tpu.memory_space<vmem>>)
          tpu.yield
        }) : () -> ()
        %dma_start3A_78 = arith.constant 0 : i32
        %dma_start3A_79 = arith.constant 0 : i32
        %dma_start3A_80 = tpu.memref_slice %arg2[%dma_start3A_78, %dma_start3A_79] : memref<10112x128xf32, #tpu.memory_space<hbm>> -> memref<10112x128xf32, #tpu.memory_space<hbm>>
        tpu.enqueue_indirect_dma source(%dma_start3A_80 : memref<10112x128xf32, #tpu.memory_space<hbm>>) target(%arg12 : memref<128x128xf32, #tpu.memory_space<vmem>>) offsets(%arg8 : memref<128xi32, #tpu.memory_space<vmem>>) semaphore(%arg15 : memref<!tpu.dma_semaphore, #tpu.memory_space<semaphore_mem>>)
      } else {
      }
    }
    %barrier3A_51 = arith.constant 0 : index
    tpu.barrier barrier_id(%barrier3A_51)
    "tpu.region"() ({
      %run_scoped3A = tpu.sem_alloc : memref<!tpu.dma_semaphore, #tpu.memory_space<semaphore_mem>>
      %dma_start3A_52 = arith.constant 0 : i32
      %dma_start3A_53 = tpu.memref_slice %arg6[%arg0, %mul3A_0, %dma_start3A_52] : memref<2x10112x128xf32, #tpu.memory_space<hbm>> -> memref<1x632x128xf32, #tpu.memory_space<hbm>>
      %dma_start3A_54 = tpu.memref_squeeze %dma_start3A_53 : memref<1x632x128xf32, #tpu.memory_space<hbm>> -> memref<632x128xf32, #tpu.memory_space<hbm>>
      %dma_start3A_55 = arith.constant 0 : i32
      %dma_start3A_56 = tpu.memref_slice %arg13[%mul3A_0, %dma_start3A_55] : memref<10112x128xf32, #tpu.memory_space<vmem_shared>> -> memref<632x128xf32, #tpu.memory_space<vmem_shared>>
      tpu.enqueue_dma source(%dma_start3A_56 : memref<632x128xf32, #tpu.memory_space<vmem_shared>>) target(%dma_start3A_54 : memref<632x128xf32, #tpu.memory_space<hbm>>) target_semaphore(%run_scoped3A : memref<!tpu.dma_semaphore, #tpu.memory_space<semaphore_mem>>)
      %dma_wait3A = arith.constant 0 : i32
      %dma_wait3A_57 = tpu.memref_slice %arg6[%arg0, %mul3A_0, %dma_wait3A] : memref<2x10112x128xf32, #tpu.memory_space<hbm>> -> memref<1x632x128xf32, #tpu.memory_space<hbm>>
      %dma_wait3A_58 = tpu.memref_squeeze %dma_wait3A_57 : memref<1x632x128xf32, #tpu.memory_space<hbm>> -> memref<632x128xf32, #tpu.memory_space<hbm>>
      %dma_wait3A_59 = arith.constant 0 : i32
      %dma_wait3A_60 = tpu.memref_slice %arg13[%mul3A_0, %dma_wait3A_59] : memref<10112x128xf32, #tpu.memory_space<vmem_shared>> -> memref<632x128xf32, #tpu.memory_space<vmem_shared>>
      tpu.wait_dma2 semaphore(%run_scoped3A : memref<!tpu.dma_semaphore, #tpu.memory_space<semaphore_mem>>) src(%dma_wait3A_60 : memref<632x128xf32, #tpu.memory_space<vmem_shared>>) dst(%dma_wait3A_58 : memref<632x128xf32, #tpu.memory_space<hbm>>)
      tpu.yield
    }) : () -> ()
    return
  }
}

module attributes {stable_mosaic.version = 14 : i64} {
  func.func @_proj_body(%arg0: i32, %arg1: memref<400x128xf32, #tpu.memory_space<vmem>>, %arg2: memref<1x128x128xf32, #tpu.memory_space<vmem>>, %arg3: memref<1x1x128xf32, #tpu.memory_space<vmem>>, %arg4: memref<400x128xf32, #tpu.memory_space<vmem>>) attributes {dimension_semantics = [#tpu.dimension_semantics<arbitrary>], iteration_bounds = array<i64: 26>, scalar_prefetch = 0 : i64, scratch_operands = 0 : i64, tpu.core_type = #tpu.core_type<tc>, window_params = [{transform_indices = @transform_0, window_bounds = array<i64: 400, 128>}, {transform_indices = @transform_1, window_bounds = array<i64: 1, 128, 128>}, {transform_indices = @transform_2, window_bounds = array<i64: 1, 1, 128>}, {transform_indices = @transform_3, window_bounds = array<i64: 400, 128>}]} {
    %get3A = arith.constant 0 : index
    %get3A_0 = arith.constant 0 : index
    %get3A_1 = vector.load %arg1[%get3A, %get3A_0] : memref<400x128xf32, #tpu.memory_space<vmem>>, vector<400x128xf32>
    %get3A_2 = arith.constant 0 : index
    %get3A_3 = arith.constant 0 : index
    %get3A_4 = arith.constant 0 : index
    %get3A_5 = vector.load %arg2[%get3A_2, %get3A_3, %get3A_4] : memref<1x128x128xf32, #tpu.memory_space<vmem>>, vector<1x128x128xf32>
    %get3A_6 = vector.shape_cast %get3A_5 : vector<1x128x128xf32> to vector<128x128xf32>
    %dot_general3A = arith.constant dense<0.000000e+00> : vector<400x128xf32>
    %dot_general3A_7 = tpu.matmul %get3A_1, %get3A_6, %dot_general3A {dimension_numbers = #tpu.dot_dimension_numbers<[1], [0], [0], [1], [0, 0, 1, 1], [], []>, transpose_lhs_hint = false} : vector<400x128xf32>, vector<128x128xf32>, vector<400x128xf32> -> vector<400x128xf32>
    %get3A_8 = arith.constant 0 : index
    %get3A_9 = arith.constant 0 : index
    %get3A_10 = arith.constant 0 : index
    %get3A_11 = vector.load %arg3[%get3A_8, %get3A_9, %get3A_10] : memref<1x1x128xf32, #tpu.memory_space<vmem>>, vector<1x1x128xf32>
    %get3A_12 = vector.shape_cast %get3A_11 : vector<1x1x128xf32> to vector<128xf32>
    %broadcast_in_dim3A = vector.shape_cast %get3A_12 : vector<128xf32> to vector<1x128xf32>
    %add3A = vector.broadcast %broadcast_in_dim3A : vector<1x128xf32> to vector<400x128xf32>
    %add3A_13 = arith.addf %dot_general3A_7, %add3A : vector<400x128xf32>
    %swap3A = arith.constant 0 : index
    %swap3A_14 = arith.constant 0 : index
    %swap3A_15 = vector.load %arg4[%swap3A, %swap3A_14] : memref<400x128xf32, #tpu.memory_space<vmem>>, vector<400x128xf32>
    tpu.vector_store %arg4[%swap3A, %swap3A_14], %add3A_13 {strides = array<i32>} : memref<400x128xf32, #tpu.memory_space<vmem>>, vector<400x128xf32>,
    return
  }
  func.func @transform_0(%arg0: i32) -> (i32, i32) {
    %c0_i32 = arith.constant 0 : i32
    %c0_i32_0 = arith.constant 0 : i32
    return %arg0, %c0_i32 : i32, i32
  }
  func.func @transform_1(%arg0: i32) -> (i32, i32, i32) {
    %jit3A = arith.constant 15 : i32
    %div3A = arith.divsi %arg0, %jit3A : i32
    %sign3A = arith.constant 0 : i32
    %sign3A_0 = arith.cmpi sgt, %arg0, %sign3A : i32
    %sign3A_1 = arith.extui %sign3A_0 : i1 to i32
    %sign3A_2 = arith.constant 0 : i32
    %sign3A_3 = arith.cmpi slt, %arg0, %sign3A_2 : i32
    %sign3A_4 = arith.extui %sign3A_3 : i1 to i32
    %sign3A_5 = arith.subi %sign3A_1, %sign3A_4 : i32
    %sign3A_6 = arith.constant 0 : i32
    %sign3A_7 = arith.cmpi sgt, %jit3A, %sign3A_6 : i32
    %sign3A_8 = arith.extui %sign3A_7 : i1 to i32
    %sign3A_9 = arith.constant 0 : i32
    %sign3A_10 = arith.cmpi slt, %jit3A, %sign3A_9 : i32
    %sign3A_11 = arith.extui %sign3A_10 : i1 to i32
    %sign3A_12 = arith.subi %sign3A_8, %sign3A_11 : i32
    %ne3A = arith.cmpi ne, %sign3A_5, %sign3A_12 : i32
    %rem3A = arith.remsi %arg0, %jit3A : i32
    %ne3A_13 = arith.constant 0 : i32
    %ne3A_14 = arith.cmpi ne, %rem3A, %ne3A_13 : i32
    %and3A = arith.andi %ne3A, %ne3A_14 : i1
    %sub3A = arith.constant 1 : i32
    %sub3A_15 = arith.subi %div3A, %sub3A : i32
    %select_n3A = arith.select %and3A, %sub3A_15, %div3A : i32
    %c0_i32 = arith.constant 0 : i32
    %c0_i32_16 = arith.constant 0 : i32
    %c0_i32_17 = arith.constant 0 : i32
    return %select_n3A, %c0_i32, %c0_i32_16 : i32, i32, i32
  }
  func.func @transform_2(%arg0: i32) -> (i32, i32, i32) {
    %jit3A = arith.constant 15 : i32
    %div3A = arith.divsi %arg0, %jit3A : i32
    %sign3A = arith.constant 0 : i32
    %sign3A_0 = arith.cmpi sgt, %arg0, %sign3A : i32
    %sign3A_1 = arith.extui %sign3A_0 : i1 to i32
    %sign3A_2 = arith.constant 0 : i32
    %sign3A_3 = arith.cmpi slt, %arg0, %sign3A_2 : i32
    %sign3A_4 = arith.extui %sign3A_3 : i1 to i32
    %sign3A_5 = arith.subi %sign3A_1, %sign3A_4 : i32
    %sign3A_6 = arith.constant 0 : i32
    %sign3A_7 = arith.cmpi sgt, %jit3A, %sign3A_6 : i32
    %sign3A_8 = arith.extui %sign3A_7 : i1 to i32
    %sign3A_9 = arith.constant 0 : i32
    %sign3A_10 = arith.cmpi slt, %jit3A, %sign3A_9 : i32
    %sign3A_11 = arith.extui %sign3A_10 : i1 to i32
    %sign3A_12 = arith.subi %sign3A_8, %sign3A_11 : i32
    %ne3A = arith.cmpi ne, %sign3A_5, %sign3A_12 : i32
    %rem3A = arith.remsi %arg0, %jit3A : i32
    %ne3A_13 = arith.constant 0 : i32
    %ne3A_14 = arith.cmpi ne, %rem3A, %ne3A_13 : i32
    %and3A = arith.andi %ne3A, %ne3A_14 : i1
    %sub3A = arith.constant 1 : i32
    %sub3A_15 = arith.subi %div3A, %sub3A : i32
    %select_n3A = arith.select %and3A, %sub3A_15, %div3A : i32
    %c0_i32 = arith.constant 0 : i32
    %c0_i32_16 = arith.constant 0 : i32
    %c0_i32_17 = arith.constant 0 : i32
    return %select_n3A, %c0_i32, %c0_i32_16 : i32, i32, i32
  }
  func.func @transform_3(%arg0: i32) -> (i32, i32) {
    %c0_i32 = arith.constant 0 : i32
    %c0_i32_0 = arith.constant 0 : i32
    return %arg0, %c0_i32 : i32, i32
  }
}

module attributes {stable_mosaic.version = 14 : i64} {
  func.func @_norms_body(%arg0: memref<2x32x10112xf32, #tpu.memory_space<vmem>>, %arg1: memref<10112x2xf32, #tpu.memory_space<vmem>>) attributes {dimension_semantics = [], scalar_prefetch = 0 : i64, scratch_operands = 0 : i64, tpu.core_type = #tpu.core_type<tc>} {
    %get3A = arith.constant 0 : index
    %get3A_0 = arith.constant 0 : index
    %get3A_1 = arith.constant 0 : index
    %get3A_2 = vector.load %arg0[%get3A, %get3A_0, %get3A_1] : memref<2x32x10112xf32, #tpu.memory_space<vmem>>, vector<2x32x10112xf32>
    %reduce_sum3A = arith.constant dense<0.000000e+00> : vector<2x10112xf32>
    %reduce_sum3A_3 = vector.multi_reduction <add>, %get3A_2, %reduce_sum3A [1] : vector<2x32x10112xf32> to vector<2x10112xf32>
    %max3A = arith.constant 1.000000e+00 : f32
    %max3A_4 = vector.broadcast %max3A : f32 to vector<2x10112xf32>
    %max3A_5 = arith.maximumf %reduce_sum3A_3, %max3A_4 : vector<2x10112xf32>
    %rsqrt3A = math.rsqrt %max3A_5 : vector<2x10112xf32>
    %transpose3A = tpu.transpose %rsqrt3A, [1, 0] : vector<2x10112xf32> -> vector<10112x2xf32>
    %swap3A = arith.constant 0 : index
    %swap3A_6 = arith.constant 0 : index
    %swap3A_7 = vector.load %arg1[%swap3A, %swap3A_6] : memref<10112x2xf32, #tpu.memory_space<vmem>>, vector<10112x2xf32>
    tpu.vector_store %arg1[%swap3A, %swap3A_6], %transpose3A {strides = array<i32>} : memref<10112x2xf32, #tpu.memory_space<vmem>>, vector<10112x2xf32>,
    return
  }
}

module attributes {stable_mosaic.version = 14 : i64} {
  func.func @_conv_in_body(%arg0: i32, %arg1: memref<400x128xf32, #tpu.memory_space<vmem>>, %arg2: memref<128x128xf32, #tpu.memory_space<vmem>>, %arg3: memref<400x2xf32, #tpu.memory_space<vmem>>, %arg4: memref<400x128xf32, #tpu.memory_space<vmem>>) attributes {dimension_semantics = [#tpu.dimension_semantics<arbitrary>], iteration_bounds = array<i64: 26>, scalar_prefetch = 0 : i64, scratch_operands = 0 : i64, tpu.core_type = #tpu.core_type<tc>, window_params = [{transform_indices = @transform_0, window_bounds = array<i64: 400, 128>}, {pipeline_mode = #tpu.pipeline_mode<synchronous>, transform_indices = @transform_1, window_bounds = array<i64: 128, 128>}, {transform_indices = @transform_2, window_bounds = array<i64: 400, 2>}, {transform_indices = @transform_3, window_bounds = array<i64: 400, 128>}]} {
    %get3A = arith.constant 0 : index
    %get3A_0 = arith.constant 0 : index
    %get3A_1 = vector.load %arg1[%get3A, %get3A_0] : memref<400x128xf32, #tpu.memory_space<vmem>>, vector<400x128xf32>
    %get3A_2 = arith.constant 0 : index
    %get3A_3 = arith.constant 0 : index
    %get3A_4 = vector.load %arg2[%get3A_2, %get3A_3] : memref<128x128xf32, #tpu.memory_space<vmem>>, vector<128x128xf32>
    %dot_general3A = arith.constant dense<0.000000e+00> : vector<400x128xf32>
    %dot_general3A_5 = tpu.matmul %get3A_1, %get3A_4, %dot_general3A {dimension_numbers = #tpu.dot_dimension_numbers<[1], [0], [0], [1], [0, 0, 1, 1], [], []>, transpose_lhs_hint = false} : vector<400x128xf32>, vector<128x128xf32>, vector<400x128xf32> -> vector<400x128xf32>
    %get3A_6 = arith.constant 0 : index
    %get3A_7 = arith.constant 0 : index
    %get3A_8 = vector.load %arg3[%get3A_6, %get3A_7] : memref<400x2xf32, #tpu.memory_space<vmem>>, vector<400x1xf32>
    %mul3A = vector.broadcast %get3A_8 : vector<400x1xf32> to vector<400x128xf32>
    %mul3A_9 = arith.mulf %dot_general3A_5, %mul3A : vector<400x128xf32>
    %swap3A = arith.constant 0 : index
    %swap3A_10 = arith.constant 0 : index
    %swap3A_11 = vector.load %arg4[%swap3A, %swap3A_10] : memref<400x128xf32, #tpu.memory_space<vmem>>, vector<400x128xf32>
    tpu.vector_store %arg4[%swap3A, %swap3A_10], %mul3A_9 {strides = array<i32>} : memref<400x128xf32, #tpu.memory_space<vmem>>, vector<400x128xf32>,
    return
  }
  func.func @transform_0(%arg0: i32) -> (i32, i32) {
    %c0_i32 = arith.constant 0 : i32
    %c0_i32_0 = arith.constant 0 : i32
    return %arg0, %c0_i32 : i32, i32
  }
  func.func @transform_1(%arg0: i32) -> (i32, i32) {
    %c0_i32 = arith.constant 0 : i32
    %c0_i32_0 = arith.constant 0 : i32
    %c0_i32_1 = arith.constant 0 : i32
    return %c0_i32, %c0_i32_0 : i32, i32
  }
  func.func @transform_2(%arg0: i32) -> (i32, i32) {
    %c0_i32 = arith.constant 0 : i32
    %c0_i32_0 = arith.constant 0 : i32
    return %arg0, %c0_i32 : i32, i32
  }
  func.func @transform_3(%arg0: i32) -> (i32, i32) {
    %c0_i32 = arith.constant 0 : i32
    %c0_i32_0 = arith.constant 0 : i32
    return %arg0, %c0_i32 : i32, i32
  }
}

module attributes {stable_mosaic.version = 14 : i64} {
  func.func @_conv_mid_body(%arg0: i32, %arg1: memref<2x400x128xf32, #tpu.memory_space<vmem>>, %arg2: memref<400x2xf32, #tpu.memory_space<vmem>>, %arg3: memref<1x128xf32, #tpu.memory_space<vmem>>, %arg4: memref<128x128xf32, #tpu.memory_space<vmem>>, %arg5: memref<400x128xf32, #tpu.memory_space<vmem>>) attributes {dimension_semantics = [#tpu.dimension_semantics<arbitrary>], iteration_bounds = array<i64: 26>, scalar_prefetch = 0 : i64, scratch_operands = 0 : i64, tpu.core_type = #tpu.core_type<tc>, window_params = [{transform_indices = @transform_0, window_bounds = array<i64: 2, 400, 128>}, {transform_indices = @transform_1, window_bounds = array<i64: 400, 2>}, {pipeline_mode = #tpu.pipeline_mode<synchronous>, transform_indices = @transform_2, window_bounds = array<i64: 1, 128>}, {pipeline_mode = #tpu.pipeline_mode<synchronous>, transform_indices = @transform_3, window_bounds = array<i64: 128, 128>}, {transform_indices = @transform_4, window_bounds = array<i64: 400, 128>}]} {
    %get3A = arith.constant 0 : index
    %get3A_0 = arith.constant 0 : index
    %get3A_1 = arith.constant 0 : index
    %get3A_2 = vector.load %arg1[%get3A, %get3A_0, %get3A_1] : memref<2x400x128xf32, #tpu.memory_space<vmem>>, vector<1x400x128xf32>
    %get3A_3 = vector.shape_cast %get3A_2 : vector<1x400x128xf32> to vector<400x128xf32>
    %get3A_4 = arith.constant 1 : index
    %get3A_5 = arith.constant 0 : index
    %get3A_6 = arith.constant 0 : index
    %get3A_7 = vector.load %arg1[%get3A_4, %get3A_5, %get3A_6] : memref<2x400x128xf32, #tpu.memory_space<vmem>>, vector<1x400x128xf32>
    %get3A_8 = vector.shape_cast %get3A_7 : vector<1x400x128xf32> to vector<400x128xf32>
    %add3A = arith.addf %get3A_3, %get3A_8 : vector<400x128xf32>
    %get3A_9 = arith.constant 0 : index
    %get3A_10 = arith.constant 1 : index
    %get3A_11 = vector.load %arg2[%get3A_9, %get3A_10] : memref<400x2xf32, #tpu.memory_space<vmem>>, vector<400x1xf32>
    %mul3A = vector.broadcast %get3A_11 : vector<400x1xf32> to vector<400x128xf32>
    %mul3A_12 = arith.mulf %add3A, %mul3A : vector<400x128xf32>
    %get3A_13 = arith.constant 0 : index
    %get3A_14 = arith.constant 0 : index
    %get3A_15 = vector.load %arg3[%get3A_13, %get3A_14] : memref<1x128xf32, #tpu.memory_space<vmem>>, vector<1x128xf32>
    %add3A_16 = vector.broadcast %get3A_15 : vector<1x128xf32> to vector<400x128xf32>
    %add3A_17 = arith.addf %mul3A_12, %add3A_16 : vector<400x128xf32>
    %get3A_18 = arith.constant 0 : index
    %get3A_19 = arith.constant 0 : index
    %get3A_20 = vector.load %arg4[%get3A_18, %get3A_19] : memref<128x128xf32, #tpu.memory_space<vmem>>, vector<128x128xf32>
    %dot_general3A = arith.constant dense<0.000000e+00> : vector<400x128xf32>
    %dot_general3A_21 = tpu.matmul %add3A_17, %get3A_20, %dot_general3A {dimension_numbers = #tpu.dot_dimension_numbers<[1], [0], [0], [1], [0, 0, 1, 1], [], []>, transpose_lhs_hint = false} : vector<400x128xf32>, vector<128x128xf32>, vector<400x128xf32> -> vector<400x128xf32>
    %get3A_22 = arith.constant 0 : index
    %get3A_23 = arith.constant 0 : index
    %get3A_24 = vector.load %arg2[%get3A_22, %get3A_23] : memref<400x2xf32, #tpu.memory_space<vmem>>, vector<400x1xf32>
    %mul3A_25 = vector.broadcast %get3A_24 : vector<400x1xf32> to vector<400x128xf32>
    %mul3A_26 = arith.mulf %dot_general3A_21, %mul3A_25 : vector<400x128xf32>
    %swap3A = arith.constant 0 : index
    %swap3A_27 = arith.constant 0 : index
    %swap3A_28 = vector.load %arg5[%swap3A, %swap3A_27] : memref<400x128xf32, #tpu.memory_space<vmem>>, vector<400x128xf32>
    tpu.vector_store %arg5[%swap3A, %swap3A_27], %mul3A_26 {strides = array<i32>} : memref<400x128xf32, #tpu.memory_space<vmem>>, vector<400x128xf32>,
    return
  }
  func.func @transform_0(%arg0: i32) -> (i32, i32, i32) {
    %c0_i32 = arith.constant 0 : i32
    %c0_i32_0 = arith.constant 0 : i32
    %c0_i32_1 = arith.constant 0 : i32
    return %c0_i32, %arg0, %c0_i32_0 : i32, i32, i32
  }
  func.func @transform_1(%arg0: i32) -> (i32, i32) {
    %c0_i32 = arith.constant 0 : i32
    %c0_i32_0 = arith.constant 0 : i32
    return %arg0, %c0_i32 : i32, i32
  }
  func.func @transform_2(%arg0: i32) -> (i32, i32) {
    %c0_i32 = arith.constant 0 : i32
    %c0_i32_0 = arith.constant 0 : i32
    %c0_i32_1 = arith.constant 0 : i32
    return %c0_i32, %c0_i32_0 : i32, i32
  }
  func.func @transform_3(%arg0: i32) -> (i32, i32) {
    %c0_i32 = arith.constant 0 : i32
    %c0_i32_0 = arith.constant 0 : i32
    %c0_i32_1 = arith.constant 0 : i32
    return %c0_i32, %c0_i32_0 : i32, i32
  }
  func.func @transform_4(%arg0: i32) -> (i32, i32) {
    %c0_i32 = arith.constant 0 : i32
    %c0_i32_0 = arith.constant 0 : i32
    return %arg0, %c0_i32 : i32, i32
  }
}

module attributes {stable_mosaic.version = 14 : i64} {
  func.func @_dec_body(%arg0: i32, %arg1: memref<2x400x128xf32, #tpu.memory_space<vmem>>, %arg2: memref<400x2xf32, #tpu.memory_space<vmem>>, %arg3: memref<1x128xf32, #tpu.memory_space<vmem>>, %arg4: memref<128x384xf32, #tpu.memory_space<vmem>>, %arg5: memref<1x384xf32, #tpu.memory_space<vmem>>, %arg6: memref<384x256xf32, #tpu.memory_space<vmem>>, %arg7: memref<1x256xf32, #tpu.memory_space<vmem>>, %arg8: memref<256x128xf32, #tpu.memory_space<vmem>>, %arg9: memref<1x128xf32, #tpu.memory_space<vmem>>, %arg10: memref<1x128x128xf32, #tpu.memory_space<vmem>>, %arg11: memref<1x1x128xf32, #tpu.memory_space<vmem>>, %arg12: memref<400x128xf32, #tpu.memory_space<vmem>>) attributes {dimension_semantics = [#tpu.dimension_semantics<arbitrary>], iteration_bounds = array<i64: 26>, scalar_prefetch = 0 : i64, scratch_operands = 0 : i64, tpu.core_type = #tpu.core_type<tc>, window_params = [{transform_indices = @transform_0, window_bounds = array<i64: 2, 400, 128>}, {transform_indices = @transform_1, window_bounds = array<i64: 400, 2>}, {pipeline_mode = #tpu.pipeline_mode<synchronous>, transform_indices = @transform_2, window_bounds = array<i64: 1, 128>}, {pipeline_mode = #tpu.pipeline_mode<synchronous>, transform_indices = @transform_3, window_bounds = array<i64: 128, 384>}, {pipeline_mode = #tpu.pipeline_mode<synchronous>, transform_indices = @transform_4, window_bounds = array<i64: 1, 384>}, {pipeline_mode = #tpu.pipeline_mode<synchronous>, transform_indices = @transform_5, window_bounds = array<i64: 384, 256>}, {pipeline_mode = #tpu.pipeline_mode<synchronous>, transform_indices = @transform_6, window_bounds = array<i64: 1, 256>}, {pipeline_mode = #tpu.pipeline_mode<synchronous>, transform_indices = @transform_7, window_bounds = array<i64: 256, 128>}, {pipeline_mode = #tpu.pipeline_mode<synchronous>, transform_indices = @transform_8, window_bounds = array<i64: 1, 128>}, {transform_indices = @transform_9, window_bounds = array<i64: 1, 128, 128>}, {transform_indices = @transform_10, window_bounds = array<i64: 1, 1, 128>}, {transform_indices = @transform_11, window_bounds = array<i64: 400, 128>}]} {
    %get3A = arith.constant 0 : index
    %get3A_0 = arith.constant 0 : index
    %get3A_1 = arith.constant 0 : index
    %get3A_2 = vector.load %arg1[%get3A, %get3A_0, %get3A_1] : memref<2x400x128xf32, #tpu.memory_space<vmem>>, vector<1x400x128xf32>
    %get3A_3 = vector.shape_cast %get3A_2 : vector<1x400x128xf32> to vector<400x128xf32>
    %get3A_4 = arith.constant 1 : index
    %get3A_5 = arith.constant 0 : index
    %get3A_6 = arith.constant 0 : index
    %get3A_7 = vector.load %arg1[%get3A_4, %get3A_5, %get3A_6] : memref<2x400x128xf32, #tpu.memory_space<vmem>>, vector<1x400x128xf32>
    %get3A_8 = vector.shape_cast %get3A_7 : vector<1x400x128xf32> to vector<400x128xf32>
    %add3A = arith.addf %get3A_3, %get3A_8 : vector<400x128xf32>
    %get3A_9 = arith.constant 0 : index
    %get3A_10 = arith.constant 1 : index
    %get3A_11 = vector.load %arg2[%get3A_9, %get3A_10] : memref<400x2xf32, #tpu.memory_space<vmem>>, vector<400x1xf32>
    %mul3A = vector.broadcast %get3A_11 : vector<400x1xf32> to vector<400x128xf32>
    %mul3A_12 = arith.mulf %add3A, %mul3A : vector<400x128xf32>
    %get3A_13 = arith.constant 0 : index
    %get3A_14 = arith.constant 0 : index
    %get3A_15 = vector.load %arg3[%get3A_13, %get3A_14] : memref<1x128xf32, #tpu.memory_space<vmem>>, vector<1x128xf32>
    %add3A_16 = vector.broadcast %get3A_15 : vector<1x128xf32> to vector<400x128xf32>
    %add3A_17 = arith.addf %mul3A_12, %add3A_16 : vector<400x128xf32>
    %get3A_18 = arith.constant 0 : index
    %get3A_19 = arith.constant 0 : index
    %get3A_20 = vector.load %arg4[%get3A_18, %get3A_19] : memref<128x384xf32, #tpu.memory_space<vmem>>, vector<128x384xf32>
    %dot_general3A = arith.constant dense<0.000000e+00> : vector<400x384xf32>
    %dot_general3A_21 = tpu.matmul %add3A_17, %get3A_20, %dot_general3A {dimension_numbers = #tpu.dot_dimension_numbers<[1], [0], [0], [1], [0, 0, 1, 1], [], []>, transpose_lhs_hint = false} : vector<400x128xf32>, vector<128x384xf32>, vector<400x384xf32> -> vector<400x384xf32>
    %get3A_22 = arith.constant 0 : index
    %get3A_23 = arith.constant 0 : index
    %get3A_24 = vector.load %arg5[%get3A_22, %get3A_23] : memref<1x384xf32, #tpu.memory_space<vmem>>, vector<1x384xf32>
    %add3A_25 = vector.broadcast %get3A_24 : vector<1x384xf32> to vector<400x384xf32>
    %add3A_26 = arith.addf %dot_general3A_21, %add3A_25 : vector<400x384xf32>
    %max3A = arith.constant 0.000000e+00 : f32
    %max3A_27 = vector.broadcast %max3A : f32 to vector<400x384xf32>
    %max3A_28 = arith.maximumf %add3A_26, %max3A_27 : vector<400x384xf32>
    %get3A_29 = arith.constant 0 : index
    %get3A_30 = arith.constant 0 : index
    %get3A_31 = vector.load %arg6[%get3A_29, %get3A_30] : memref<384x256xf32, #tpu.memory_space<vmem>>, vector<384x256xf32>
    %dot_general3A_32 = arith.constant dense<0.000000e+00> : vector<400x256xf32>
    %dot_general3A_33 = tpu.matmul %max3A_28, %get3A_31, %dot_general3A_32 {dimension_numbers = #tpu.dot_dimension_numbers<[1], [0], [0], [1], [0, 0, 1, 1], [], []>, transpose_lhs_hint = false} : vector<400x384xf32>, vector<384x256xf32>, vector<400x256xf32> -> vector<400x256xf32>
    %get3A_34 = arith.constant 0 : index
    %get3A_35 = arith.constant 0 : index
    %get3A_36 = vector.load %arg7[%get3A_34, %get3A_35] : memref<1x256xf32, #tpu.memory_space<vmem>>, vector<1x256xf32>
    %add3A_37 = vector.broadcast %get3A_36 : vector<1x256xf32> to vector<400x256xf32>
    %add3A_38 = arith.addf %dot_general3A_33, %add3A_37 : vector<400x256xf32>
    %max3A_39 = arith.constant 0.000000e+00 : f32
    %max3A_40 = vector.broadcast %max3A_39 : f32 to vector<400x256xf32>
    %max3A_41 = arith.maximumf %add3A_38, %max3A_40 : vector<400x256xf32>
    %get3A_42 = arith.constant 0 : index
    %get3A_43 = arith.constant 0 : index
    %get3A_44 = vector.load %arg8[%get3A_42, %get3A_43] : memref<256x128xf32, #tpu.memory_space<vmem>>, vector<256x128xf32>
    %dot_general3A_45 = arith.constant dense<0.000000e+00> : vector<400x128xf32>
    %dot_general3A_46 = tpu.matmul %max3A_41, %get3A_44, %dot_general3A_45 {dimension_numbers = #tpu.dot_dimension_numbers<[1], [0], [0], [1], [0, 0, 1, 1], [], []>, transpose_lhs_hint = false} : vector<400x256xf32>, vector<256x128xf32>, vector<400x128xf32> -> vector<400x128xf32>
    %get3A_47 = arith.constant 0 : index
    %get3A_48 = arith.constant 0 : index
    %get3A_49 = vector.load %arg9[%get3A_47, %get3A_48] : memref<1x128xf32, #tpu.memory_space<vmem>>, vector<1x128xf32>
    %add3A_50 = vector.broadcast %get3A_49 : vector<1x128xf32> to vector<400x128xf32>
    %add3A_51 = arith.addf %dot_general3A_46, %add3A_50 : vector<400x128xf32>
    %max3A_52 = arith.constant 0.000000e+00 : f32
    %max3A_53 = vector.broadcast %max3A_52 : f32 to vector<400x128xf32>
    %max3A_54 = arith.maximumf %add3A_51, %max3A_53 : vector<400x128xf32>
    %get3A_55 = arith.constant 0 : index
    %get3A_56 = arith.constant 0 : index
    %get3A_57 = arith.constant 0 : index
    %get3A_58 = vector.load %arg10[%get3A_55, %get3A_56, %get3A_57] : memref<1x128x128xf32, #tpu.memory_space<vmem>>, vector<1x128x128xf32>
    %get3A_59 = vector.shape_cast %get3A_58 : vector<1x128x128xf32> to vector<128x128xf32>
    %dot_general3A_60 = arith.constant dense<0.000000e+00> : vector<400x128xf32>
    %dot_general3A_61 = tpu.matmul %max3A_54, %get3A_59, %dot_general3A_60 {dimension_numbers = #tpu.dot_dimension_numbers<[1], [0], [0], [1], [0, 0, 1, 1], [], []>, transpose_lhs_hint = false} : vector<400x128xf32>, vector<128x128xf32>, vector<400x128xf32> -> vector<400x128xf32>
    %get3A_62 = arith.constant 0 : index
    %get3A_63 = arith.constant 0 : index
    %get3A_64 = arith.constant 0 : index
    %get3A_65 = vector.load %arg11[%get3A_62, %get3A_63, %get3A_64] : memref<1x1x128xf32, #tpu.memory_space<vmem>>, vector<1x1x128xf32>
    %get3A_66 = vector.shape_cast %get3A_65 : vector<1x1x128xf32> to vector<128xf32>
    %broadcast_in_dim3A = vector.shape_cast %get3A_66 : vector<128xf32> to vector<1x128xf32>
    %add3A_67 = vector.broadcast %broadcast_in_dim3A : vector<1x128xf32> to vector<400x128xf32>
    %add3A_68 = arith.addf %dot_general3A_61, %add3A_67 : vector<400x128xf32>
    %logistic3A = arith.negf %add3A_68 : vector<400x128xf32>
    %logistic3A_69 = math.exp %logistic3A : vector<400x128xf32>
    %logistic3A_70 = arith.constant 1.000000e+00 : f32
    %logistic3A_71 = vector.broadcast %logistic3A_70 : f32 to vector<400x128xf32>
    %logistic3A_72 = arith.addf %logistic3A_71, %logistic3A_69 : vector<400x128xf32>
    %logistic3A_73 = arith.divf %logistic3A_71, %logistic3A_72 : vector<400x128xf32>
    %swap3A = arith.constant 0 : index
    %swap3A_74 = arith.constant 0 : index
    %swap3A_75 = vector.load %arg12[%swap3A, %swap3A_74] : memref<400x128xf32, #tpu.memory_space<vmem>>, vector<400x128xf32>
    tpu.vector_store %arg12[%swap3A, %swap3A_74], %logistic3A_73 {strides = array<i32>} : memref<400x128xf32, #tpu.memory_space<vmem>>, vector<400x128xf32>,
    return
  }
  func.func @transform_0(%arg0: i32) -> (i32, i32, i32) {
    %c0_i32 = arith.constant 0 : i32
    %c0_i32_0 = arith.constant 0 : i32
    %c0_i32_1 = arith.constant 0 : i32
    return %c0_i32, %arg0, %c0_i32_0 : i32, i32, i32
  }
  func.func @transform_1(%arg0: i32) -> (i32, i32) {
    %c0_i32 = arith.constant 0 : i32
    %c0_i32_0 = arith.constant 0 : i32
    return %arg0, %c0_i32 : i32, i32
  }
  func.func @transform_2(%arg0: i32) -> (i32, i32) {
    %c0_i32 = arith.constant 0 : i32
    %c0_i32_0 = arith.constant 0 : i32
    %c0_i32_1 = arith.constant 0 : i32
    return %c0_i32, %c0_i32_0 : i32, i32
  }
  func.func @transform_3(%arg0: i32) -> (i32, i32) {
    %c0_i32 = arith.constant 0 : i32
    %c0_i32_0 = arith.constant 0 : i32
    %c0_i32_1 = arith.constant 0 : i32
    return %c0_i32, %c0_i32_0 : i32, i32
  }
  func.func @transform_4(%arg0: i32) -> (i32, i32) {
    %c0_i32 = arith.constant 0 : i32
    %c0_i32_0 = arith.constant 0 : i32
    %c0_i32_1 = arith.constant 0 : i32
    return %c0_i32, %c0_i32_0 : i32, i32
  }
  func.func @transform_5(%arg0: i32) -> (i32, i32) {
    %c0_i32 = arith.constant 0 : i32
    %c0_i32_0 = arith.constant 0 : i32
    %c0_i32_1 = arith.constant 0 : i32
    return %c0_i32, %c0_i32_0 : i32, i32
  }
  func.func @transform_6(%arg0: i32) -> (i32, i32) {
    %c0_i32 = arith.constant 0 : i32
    %c0_i32_0 = arith.constant 0 : i32
    %c0_i32_1 = arith.constant 0 : i32
    return %c0_i32, %c0_i32_0 : i32, i32
  }
  func.func @transform_7(%arg0: i32) -> (i32, i32) {
    %c0_i32 = arith.constant 0 : i32
    %c0_i32_0 = arith.constant 0 : i32
    %c0_i32_1 = arith.constant 0 : i32
    return %c0_i32, %c0_i32_0 : i32, i32
  }
  func.func @transform_8(%arg0: i32) -> (i32, i32) {
    %c0_i32 = arith.constant 0 : i32
    %c0_i32_0 = arith.constant 0 : i32
    %c0_i32_1 = arith.constant 0 : i32
    return %c0_i32, %c0_i32_0 : i32, i32
  }
  func.func @transform_9(%arg0: i32) -> (i32, i32, i32) {
    %jit3A = arith.constant 15 : i32
    %div3A = arith.divsi %arg0, %jit3A : i32
    %sign3A = arith.constant 0 : i32
    %sign3A_0 = arith.cmpi sgt, %arg0, %sign3A : i32
    %sign3A_1 = arith.extui %sign3A_0 : i1 to i32
    %sign3A_2 = arith.constant 0 : i32
    %sign3A_3 = arith.cmpi slt, %arg0, %sign3A_2 : i32
    %sign3A_4 = arith.extui %sign3A_3 : i1 to i32
    %sign3A_5 = arith.subi %sign3A_1, %sign3A_4 : i32
    %sign3A_6 = arith.constant 0 : i32
    %sign3A_7 = arith.cmpi sgt, %jit3A, %sign3A_6 : i32
    %sign3A_8 = arith.extui %sign3A_7 : i1 to i32
    %sign3A_9 = arith.constant 0 : i32
    %sign3A_10 = arith.cmpi slt, %jit3A, %sign3A_9 : i32
    %sign3A_11 = arith.extui %sign3A_10 : i1 to i32
    %sign3A_12 = arith.subi %sign3A_8, %sign3A_11 : i32
    %ne3A = arith.cmpi ne, %sign3A_5, %sign3A_12 : i32
    %rem3A = arith.remsi %arg0, %jit3A : i32
    %ne3A_13 = arith.constant 0 : i32
    %ne3A_14 = arith.cmpi ne, %rem3A, %ne3A_13 : i32
    %and3A = arith.andi %ne3A, %ne3A_14 : i1
    %sub3A = arith.constant 1 : i32
    %sub3A_15 = arith.subi %div3A, %sub3A : i32
    %select_n3A = arith.select %and3A, %sub3A_15, %div3A : i32
    %c0_i32 = arith.constant 0 : i32
    %c0_i32_16 = arith.constant 0 : i32
    %c0_i32_17 = arith.constant 0 : i32
    return %select_n3A, %c0_i32, %c0_i32_16 : i32, i32, i32
  }
  func.func @transform_10(%arg0: i32) -> (i32, i32, i32) {
    %jit3A = arith.constant 15 : i32
    %div3A = arith.divsi %arg0, %jit3A : i32
    %sign3A = arith.constant 0 : i32
    %sign3A_0 = arith.cmpi sgt, %arg0, %sign3A : i32
    %sign3A_1 = arith.extui %sign3A_0 : i1 to i32
    %sign3A_2 = arith.constant 0 : i32
    %sign3A_3 = arith.cmpi slt, %arg0, %sign3A_2 : i32
    %sign3A_4 = arith.extui %sign3A_3 : i1 to i32
    %sign3A_5 = arith.subi %sign3A_1, %sign3A_4 : i32
    %sign3A_6 = arith.constant 0 : i32
    %sign3A_7 = arith.cmpi sgt, %jit3A, %sign3A_6 : i32
    %sign3A_8 = arith.extui %sign3A_7 : i1 to i32
    %sign3A_9 = arith.constant 0 : i32
    %sign3A_10 = arith.cmpi slt, %jit3A, %sign3A_9 : i32
    %sign3A_11 = arith.extui %sign3A_10 : i1 to i32
    %sign3A_12 = arith.subi %sign3A_8, %sign3A_11 : i32
    %ne3A = arith.cmpi ne, %sign3A_5, %sign3A_12 : i32
    %rem3A = arith.remsi %arg0, %jit3A : i32
    %ne3A_13 = arith.constant 0 : i32
    %ne3A_14 = arith.cmpi ne, %rem3A, %ne3A_13 : i32
    %and3A = arith.andi %ne3A, %ne3A_14 : i1
    %sub3A = arith.constant 1 : i32
    %sub3A_15 = arith.subi %div3A, %sub3A : i32
    %select_n3A = arith.select %and3A, %sub3A_15, %div3A : i32
    %c0_i32 = arith.constant 0 : i32
    %c0_i32_16 = arith.constant 0 : i32
    %c0_i32_17 = arith.constant 0 : i32
    return %select_n3A, %c0_i32, %c0_i32_16 : i32, i32, i32
  }
  func.func @transform_11(%arg0: i32) -> (i32, i32) {
    %c0_i32 = arith.constant 0 : i32
    %c0_i32_0 = arith.constant 0 : i32
    return %arg0, %c0_i32 : i32, i32
  }
}

</mosaic_0001>

<sc_bundles>
// kernel: kernel.10.cloned.1.call-start
scs
__scs_entry_jumppad:
0x0: {  	(pc) =	sbr.rel $0x88, $3  }
0x1: {  	(tag) =	ssettag $0x0;
	lr =	simm.s32 $0x1  }
0x2: {  	[smem:$0x3F8C] =	sst lr;
	_ =	strace $0xD0000000  }
0x3: {  	_ = 	snop  }
0x4: {  	_ = 	snop  }
0x5: {  	_ = 	snop  }
0x6: {  	_ = 	snop  }
0x7: {  	_ = 	snop  }
__scs_overlays_trampoline_lowered:
0x8: {  	[smem:$0x3F9B] =	sst s0  }
0x9: {  	[smem:$0x3F9C] =	sst s1  }
0xa: {  	[smem:$0x3F9D] =	sst s2  }
0xb: {  	[smem:$0x3F9E] =	sst s3  }
0xc: {  	[smem:$0x3F9F] =	sst s4  }
0xd: {  	[smem:$0x3FA0] =	sst s5  }
0xe: {  	[smem:$0x3FA1] =	sst s6  }
0xf: {  	[smem:$0x3FA2] =	sst s7  }
0x10: {  	[smem:$0x3FA3] =	sst s8  }
0x11: {  	[smem:$0x3FA4] =	sst s9;
	s0 =	simm.s32 @!p0 $0x0  }
0x12: {  	s1 =	sld [smem:$0x3F8A];
	s0 =	simm.s32 @p0 $0x1  }
0x13: {  	[smem:$0x3FA5] =	sst s0;
	s0 =	simm.s32 @!p1 $0x0  }
0x14: {  	s2 =	sld [smem:$0x3F89];
	s0 =	simm.s32 @p1 $0x1  }
0x15: {  	[smem:$0x3FA6] =	sst s0;
	s0 =	simm.s32 @!p2 $0x0  }
0x16: {  	s3 =	sld [smem:$0x3FDB];
	s0 =	simm.s32 @p2 $0x1  }
0x17: {  	s4 =	simm.s32 $0x1BF5;
	[smem:$0x3FA8] =	sst s0  }
0x18: {  	s0 =	sld [smem:$0x3F8B];
	_ =	swait.ge [sflag:s4], $0x0  }
0x19: {  	s7 =	sld [smem:$0x3F8C]  }
0x1a: {  	s8 =	sadd.s32 $0xFFFFE003, lr  }
0x1b: {  	s9 =	sadd.s32 $0xFFFFFEF7, lr;
	s5 =	simm.s32 $0xFFFFFFFF;
	p2 =	slt.u32 s8, $0xFFFFF086  }
0x1c: {  	p1 =	slt.u32 s9, $0xF7A;
	s5 =	simm.s32 @!p2 $0x0  }
0x1d: {  	s5 =	simm.s32 @p1 $0x1;
	p0 =	seq.s32 s7, s2  }
0x1e: {  	s7 =	smul.u32 @!p0 $0xF7A, s2;
	p2 =	seq.s32 @!p0 s5, $0x0  }
0x1f: {  	s9 =	smul.u32 $0xF7A, s1;
	s8 =	simm.s32 @!p0 $0x1BF5;
	p2 =	por !p2, p0  }
0x20: {  	[sflag:s8] =	ssyncset.s32 @!p0 $0xFFFFF086;
	s6 =	sadd.s32 @!p0 s3, s7;
	s7 =	simm.s32 @!p0 $0x108  }
0x21: {  	s3 =	sadd.s32 s3, s9;
	s6 =	sadd.s32 @!p0 $0x88, s6;
	s7 =	simm.s32 @p2 $0x1082  }
0x22: {  	[simem:s7], [sflag:s8] =	dma.local @!p0 [hbm:s6], $0xF7A  }
0x23: {  	s9 =	sor.u32 $0xD0000000, s2;
	s6 =	simm.s32 $0x108;
	_ =	swait.ge @!p0 [sflag:s8], $0x0  }
0x24: {  	s3 =	sadd.s32 $0x88, s3;
	s6 =	simm.s32 @!p1 $0x1082;
	[sflag:s4] =	ssyncset.s32 $0xFFFFF086  }
0x25: {  	[simem:s6], [sflag:s4] =	dma.local [hbm:s3], $0xF7A  }
0x26: {  	[smem:$0x3F8C] =	sst s1;
	(tag) =	ssettag s2;
	_ =	strace s9  }
0x27: {  	s1 =	sld [smem:$0x3F9C]  }
0x28: {  	s2 =	sld [smem:$0x3F9D]  }
0x29: {  	s4 =	sld [smem:$0x3F9F]  }
0x2a: {  	p0 =	seq.s32 s5, $0x0;
	s5 =	sld [smem:$0x3FA0]  }
0x2b: {  	s6 =	sld [smem:$0x3FA1]  }
0x2c: {  	s7 =	sld [smem:$0x3FA2]  }
0x2d: {  	s3 =	simm.s32 $0x108;
	s8 =	sld [smem:$0x3FA3]  }
0x2e: {  	s3 =	simm.s32 @!p0 $0x1082;
	s9 =	sld [smem:$0x3FA4]  }
0x2f: {  	lr =	sadd.s32 s0, s3;
	s0 =	sld [smem:$0x3F9B]  }
0x30: {  	s3 =	sld [smem:$0x3F9E]  }
0x31: {  	[smem:$0x3FA7] =	sst s10  }
0x32: {  	s10 =	sld [smem:$0x3FA5];
	_ =	sdelay $0x3  }
0x33: {  	p0 =	seq.s32 s10, $0x1;
	s10 =	sld [smem:$0x3FA7];
	_ =	sdelay $0x3  }
0x34: {  	[smem:$0x3FA7] =	sst s10  }
0x35: {  	s10 =	sld [smem:$0x3FA6];
	_ =	sdelay $0x3  }
0x36: {  	p1 =	seq.s32 s10, $0x1;
	s10 =	sld [smem:$0x3FA7];
	_ =	sdelay $0x3  }
0x37: {  	[smem:$0x3FA7] =	sst s10  }
0x38: {  	s10 =	sld [smem:$0x3FA8]  }
0x39: {  	_ = 	snop;
	(pc) =	sbr.ind lr, $3  }
0x3a: {  	_ = 	snop  }
0x3b: {  	_ = 	snop  }
0x3c: {  	p2 =	seq.s32 s10, $0x1;
	s10 =	sld [smem:$0x3FA7]  }
0x3d: {  	_ =	shalt  }
0x3e: {  	_ =	shalt  }
0x3f: {  	_ =	shalt  }
0x40: {  	_ =	shalt  }
0x41: {  	_ =	shalt  }
0x42: {  	_ =	shalt  }
0x43: {  	_ =	shalt  }
0x44: {  	_ =	shalt  }
0x45: {  	_ =	shalt  }
0x46: {  	_ =	shalt  }
0x47: {  	_ =	shalt  }
0x48: {  	_ =	shalt  }
0x49: {  	_ =	shalt  }
0x4a: {  	_ =	shalt  }
0x4b: {  	_ =	shalt  }
0x4c: {  	_ =	shalt  }
0x4d: {  	_ =	shalt  }
0x4e: {  	_ =	shalt  }
0x4f: {  	_ =	shalt  }
0x50: {  	_ =	shalt  }
0x51: {  	_ =	shalt  }
0x52: {  	_ =	shalt  }
0x53: {  	_ =	shalt  }
0x54: {  	_ =	shalt  }
0x55: {  	_ =	shalt  }
0x56: {  	_ =	shalt  }
0x57: {  	_ =	shalt  }
0x58: {  	_ =	shalt  }
0x59: {  	_ =	shalt  }
0x5a: {  	_ =	shalt  }
0x5b: {  	_ =	shalt  }
0x5c: {  	_ =	shalt  }
0x5d: {  	_ =	shalt  }
0x5e: {  	_ =	shalt  }
0x5f: {  	_ =	shalt  }
0x60: {  	_ =	shalt  }
0x61: {  	_ =	shalt  }
0x62: {  	_ =	shalt  }
0x63: {  	_ =	shalt  }
0x64: {  	_ =	shalt  }
0x65: {  	_ =	shalt  }
0x66: {  	_ =	shalt  }
0x67: {  	_ =	shalt  }
0x68: {  	_ =	shalt  }
0x69: {  	_ =	shalt  }
0x6a: {  	_ =	shalt  }
0x6b: {  	_ =	shalt  }
0x6c: {  	_ =	shalt  }
0x6d: {  	_ =	shalt  }
0x6e: {  	_ =	shalt  }
0x6f: {  	_ =	shalt  }
0x70: {  	_ =	shalt  }
0x71: {  	_ =	shalt  }
0x72: {  	_ =	shalt  }
0x73: {  	_ =	shalt  }
0x74: {  	_ =	shalt  }
0x75: {  	_ =	shalt  }
0x76: {  	_ =	shalt  }
0x77: {  	_ =	shalt  }
0x78: {  	_ =	shalt  }
0x79: {  	_ =	shalt  }
0x7a: {  	_ =	shalt  }
0x7b: {  	_ =	shalt  }
0x7c: {  	_ =	shalt  }
0x7d: {  	_ =	shalt  }
0x7e: {  	_ =	shalt  }
0x7f: {  	_ =	shalt  }
0x80: {  	_ =	shalt  }
0x81: {  	_ =	shalt  }
0x82: {  	_ =	shalt  }
0x83: {  	_ =	shalt  }
0x84: {  	_ =	shalt  }
0x85: {  	_ =	shalt  }
0x86: {  	_ =	shalt  }
0x87: {  	_ =	shalt  }
.Lfunc_end0:
.L_simem_size_0:
called_computation_lowered:
.L_overlay_start_0:
0x88: {  	s2 =	sld [smem:$0x3FD9]  }
0x89: {  	s3 =	sld [smem:$0x3FFE];
	_ =	sdelay $0x1  }
0x8a: {  	s1 =	srdreg.scid  }
0x8b: {  	s0 =	sand.u32 $0x1, s1  }
0x8c: {  	s14 =	sshll.u32 s0, $0xA;
	s2 =	sadd.s32 s3, s2  }
0x8d: {  	s2 =	sadd.s32 s2, s14  }
0x8e: {  	[smem:$0x3FB3] =	sst s2  }
0x8f: {  	_ = 	snop  }
0x90: {  	s2 =	sld [smem:$0x3FD0];
	_ =	sdelay $0x2  }
0x91: {  	s15 =	simm.s32 $0xA;
	s4 =	simm.s32 $0x10  }
0x92: {  	[smem:s4], [sflag:s15] =	dma.local [hbm:s2], $0x1  }
0x93: {  	_ =	swait.eq [sflag:s15], $0x1  }
0x94: {  	[sflag:s15] =	ssyncset.done $0x0  }
0x95: {  	s16 =	sld [smem:$0x10];
	[sflag:s15] =	ssyncadd.s32 $0xFFFFFFFF  }
0x96: {  	s17 =	sld [smem:$0x11];
	(tm) =	ssettm $0x1  }
0x97: {  	s18 =	sld [smem:$0x3FFB];
	_ =	sdelay $0x3  }
0x98: {  	_ =	strace s18  }
0x99: {  	s4 =	sld [smem:$0x3FFC];
	_ =	sdelay $0x3  }
0x9a: {  	_ =	strace s4  }
0x9b: {  	s4 =	sld [smem:$0x3FFD];
	_ =	sdelay $0x3  }
0x9c: {  	_ =	strace s4  }
0x9d: {  	_ =	strace $0x8FFFFFFF  }
0x9e: {  	s19 =	sld [smem:$0x3FDB];
	_ =	sdelay $0x1  }
0x9f: {  	s5 =	simm.s32 $_scs_section_size  }
0xa0: {  	s6 =	simm.s32 $_size__tile_overlayer_lowered;
	s7 =	simm.s32 $_tile_overlayer_lowered  }
0xa1: {  	s22 =	simm.s32 $0x1BFF;
	s21 =	sshll.u32 s7, $0x1;
	s4 =	sadd.s32 s5, s19  }
0xa2: {  	s8 =	simm.s32 $0x0;
	s20 =	sshll.u32 s6, $0x1;
	s6 =	sadd.s32 s21, s4  }
0xa3: {  	[timem:s8], [sflag:s22] =	dma.local [hbm:s6], s20  }
0xa4: {  	_ =	swait.ge [sflag:s22], s20  }
0xa5: {  	s5 =	ssub.s32 $0x0, s20;
	[sflag:s22] =	ssyncset.done $0x0  }
0xa6: {  	[sflag:s22] =	ssyncadd.s32 s5;
	_ =	sdelay $0x1  }
0xa7: {  	s23 =	simm.s32 $0x1B8B  }
0xa8: {  	_ =	swait.ge [sflag:s23], $0x1  }
0xa9: {  	[sflag:s23] =	ssyncset.done $0x0  }
0xaa: {  	s25 =	simm.s32 $0x1B8E;
	s24 =	sld [smem:$0x3FFE];
	[sflag:s23] =	ssyncadd.s32 $0xFFFFFFFF  }
0xab: {  	s26 =	simm.s32 $execute0_lowered;
	[smem:$0x3FD2] =	sst s25  }
0xac: {  	s6 =	sshll.u32 s26, $0x1;
	_ =	strace $0x80000046;
	[dreg:$0x1] =	wrdreg $0xFFFFFFFF  }
0xad: {  	s28 =	simm.s32 $_size_execute0_lowered;
	s4 =	sadd.s32 s4, s6;
	[dreg:$0x0] =	wrdreg $0x0  }
0xae: {  	s6 =	sshll.u32 s28, $0x1;
	[dreg:$0x2] =	wrdreg s4  }
0xaf: {  	[dreg:$0x3] =	wrdreg s6  }
0xb0: {  	[dreg:$0x4] =	wrdreg $0xC0  }
0xb1: {  	_ =	task [dreg:s8], $0x5FFFF  }
0xb2: {  	[dreg:$0x1] =	wrdreg $0xFFFFFFFF  }
0xb3: {  	[dreg:$0x0] =	wrdreg $0x60  }
0xb4: {  	[dreg:$0x2] =	wrdreg s17  }
0xb5: {  	[dreg:$0x3] =	wrdreg s24  }
0xb6: {  	[dreg:$0x4] =	wrdreg s16  }
0xb7: {  	[dreg:$0x5] =	wrdreg $0x9  }
0xb8: {  	_ =	task.clear_ibuf [dreg:s8], $0x6FFFF;
	_ =	strace $0x90000046  }
0xb9: {  	s29 =	simm.s32 $0x9;
	_ =	strace $0x80000048  }
0xba: {  	_ =	swait.ge [sflag:s29], $0x1  }
0xbb: {  	[sflag:s29] =	ssyncadd.s32 $0xFFFFFFFF  }
0xbc: {  	_ =	strace $0x90000048  }
0xbd: {  	_ =	sfence  }
0xbe: {  	s30 =	sld [smem:$0x0];
	_ =	sdelay $0x2  }
0xbf: {  	s31 =	sshll.u32 s1, $0xD;
	s1 =	sshrl.u32 s1, $0x2  }
0xc0: {  	s3 =	sand.u32 $0x4000, s31;
	s1 =	sadd.s32 s1, s30  }
0xc1: {  	s0 =	sor.u32 s3, s0;
	s1 =	sshll.u32 s1, $0x11  }
0xc2: {  	s0 =	sor.u32 s1, s0  }
0xc3: {  	s0 =	sadd.s32 $0x8F2B, s0  }
0xc4: {  	[sflag:s0] =	ssyncadd.remote.s32 $0x1  }
0xc5: {  	_ =	sfence.sel $0xFFFF  }
0xc6: {  	[dreg:$0x0] =	wrdreg $0xFFFFFFFF;
	(pc) =	sbr.abs _section_cstart, $3  }
0xc7: {  	[dreg:$0x1] =	wrdreg $0xFFFFFFFF  }
0xc8: {  	_ =	task.clear_ibuf [dreg:s8], $0x2FFFF;
	_ =	strace $0x9FFFFFFF  }
0xc9: {  	(tm) =	ssettm $0x7FFFFFFF  }
tec
execute0_lowered:
.L_overlay_start_1:
0x0: {  	(tag) =	ssettag $0x1  }
0x1: {  	s0 =	srdreg.scid;
	s1 =	rddreg [dreg:$0x0]  }
0x2: {  	s6 =	rddreg [dreg:$0x1];
	s5 =	sand.u32 $0x1, s0  }
0x3: {  	s7 =	rddreg [dreg:$0x2];
	s0 =	stileid.u32;
	s2 =	sshll.u32 s5, $0x4  }
0x4: {  	s3 =	simm.s32 $0x0;
	s11 =	simm.s32 $0x2C00;
	s4 =	sor.u32 s0, s2  }
0x5: {  	s12 =	simm.s32 $0x0;
	[smem:$0x7FF] =	sst s3;
	s4 =	smul.u32 $0x2800, s4  }
0x6: {  	s8 =	ssub.s32 $0x2, s5;
	s5 =	sadd.s32 $0x3400, s6;
	s2 =	rddreg [dreg:$0x3]  }
0x7: {  	_ =	strace $0x80000047;
	s9 =	sshrl.u32 s8, $0x1;
	s10 =	sshrl.u32 s4, $0x3  }
0x8: {  	s8 =	ssub.s32 s8, s9;
	s9 =	simm.s32 $0x1;
	s6 =	sadd.s32 s7, s10  }
0x9: {  	v0 =	vimm.f32 $0.0e+00;
	v1 =	vimm.f32 $1.000000000e+00;
	s8 =	smax.u32 s8, $0x1;
	s10 =	simm.s32 $0x400;
	s7 =	sadd.s32 $0xA000, s6  }
.LBB2_1:
0xa: {  	s13 =	simm.s32 $0x40;
	s15 =	simm.s32 $0x0  }
.LBB2_2:
0xb: {  	p0 =	sne.s32 s13, $0x9DC0;
	[tilespmem:s15+$0x400] =	vst v0;
	s14 =	smov.u32 s13;
	s13 =	sadd.s32 $0x40, s13  }
.Ltmp0:
0xc: {  	[tilespmem:s15+$0x2C00] =	vst v0;
	(pc) =	sbr.rel @p0 .LBB2_2-.Ltmp0, $2  }
0xd: {  	_ =	sdelay $0x2  }
0xe: {  	s15 =	sshra.s32 s14, $0x2  }
0xf: {  	[tilespmem:s15+$0x400] =	vst v0  }
0x10: {  	s14 =	simm.s32 $0x0;
	[tilespmem:s15+$0x2C00] =	vst v0;
	s15 =	simm.s32 $0x0  }
.LBB2_4:
0x11: {  	s13 =	sshll.u32 s15, $0xA  }
0x12: {  	s13 =	sadd.s32 s4, s13  }
0x13: {  	s13 =	sshrl.u32 s13, $0x3  }
0x14: {  	s13 =	sadd.s32 s1, s13  }
0x15: {  	[tilespmem:s14], [sflag:$0x1] =	stream.linear.gather [hbm4b:s13+s14], $0x400, $0x38;
	[tilespmem:$0x5400] =	vst v63  }
0x16: {  	_ =	swait.ge [sflag:s9], $0x400  }
0x17: {  	[sflag:s9] =	ssyncset.done $0x0  }
0x18: {  	s16 =	simm.s32 $0x0;
	s13 =	simm.s32 $0x40;
	[sflag:s9] =	ssyncadd.s32 $0xFFFFFC00  }
.LBB2_5:
0x19: {  	p0 =	sne.s32 s13, $0xFC0;
	v2 =	vld [tilespmem:s16+$0x0];
	_ =	sdelay $0x3  }
.Ltmp1:
0x1a: {  	(pc) =	sbr.rel @p0 .LBB2_5-.Ltmp1, $2  }
0x1b: {  	_ =	sdelay $0x2  }
0x1c: {  	s16 =	sshra.s32 s13, $0x2;
	s13 =	sadd.s32 $0x40, s13;
	[tilespmem:v2+s10+$0x0] =	vst.idx.add.f32.msk $0xffff, v1  }
0x1d: {  	v2 =	vld [tilespmem:s16+$0x0];
	_ =	sdelay $0x1  }
0x1e: {  	s15 =	sadd.s32 $0x1, s15  }
0x1f: {  	p0 =	sne.s32 s15, $0xA  }
.Ltmp2:
0x20: {  	_ = 	snop;
	(pc) =	sbr.rel @p0 .LBB2_4-.Ltmp2, $2  }
0x21: {  	_ =	sdelay $0x2  }
0x22: {  	s13 =	simm.s32 $0x0;
	[tilespmem:v2+s10+$0x0] =	vst.idx.add.f32.msk $0xffff, v1  }
0x23: {  	s14 =	simm.s32 $0x0  }
.LBB2_8:
0x24: {  	s15 =	sshll.u32 s14, $0xA  }
0x25: {  	s15 =	sadd.s32 s4, s15  }
0x26: {  	s15 =	sshrl.u32 s15, $0x3  }
0x27: {  	s15 =	sadd.s32 s5, s15  }
0x28: {  	[tilespmem:s13], [sflag:$0x1] =	stream.linear.gather [hbm4b:s15+s13], $0x400, $0x38;
	[tilespmem:$0x5400] =	vst v63  }
0x29: {  	_ =	swait.ge [sflag:s9], $0x400  }
0x2a: {  	[sflag:s9] =	ssyncset.done $0x0  }
0x2b: {  	s16 =	simm.s32 $0x0;
	s15 =	simm.s32 $0x40;
	[sflag:s9] =	ssyncadd.s32 $0xFFFFFC00  }
.LBB2_9:
0x2c: {  	p0 =	sne.s32 s15, $0xFC0;
	v2 =	vld [tilespmem:s16+$0x0];
	_ =	sdelay $0x3  }
.Ltmp3:
0x2d: {  	(pc) =	sbr.rel @p0 .LBB2_9-.Ltmp3, $2  }
0x2e: {  	_ =	sdelay $0x2  }
0x2f: {  	s16 =	sshra.s32 s15, $0x2;
	s15 =	sadd.s32 $0x40, s15;
	[tilespmem:v2+s11+$0x0] =	vst.idx.add.f32.msk $0xffff, v1  }
0x30: {  	v2 =	vld [tilespmem:s16+$0x0];
	_ =	sdelay $0x1  }
0x31: {  	s14 =	sadd.s32 $0x1, s14  }
0x32: {  	p0 =	sne.s32 s14, $0xA  }
.Ltmp4:
0x33: {  	_ = 	snop;
	(pc) =	sbr.rel @p0 .LBB2_8-.Ltmp4, $2  }
0x34: {  	_ =	sdelay $0x2  }
0x35: {  	[tilespmem:v2+s11+$0x0] =	vst.idx.add.f32.msk $0xffff, v1  }
0x36: {  	[hbm4b:s6+s3] =	stream.linear.scatter [tilespmem:s10], [sflag:$0x1], $0x2780, $0x38;
	[tilespmem:$0x5400] =	vst v63  }
0x37: {  	s12 =	sadd.s32 $0x1, s12;
	_ =	swait.ge [sflag:s9], $0x2780  }
0x38: {  	p0 =	sne.s32 s12, s8;
	[sflag:s9] =	ssyncset.done $0x0  }
.Ltmp5:
0x39: {  	[sflag:s9] =	ssyncadd.s32 $0xFFFFD880;
	(pc) =	sbr.rel @p0 .LBB2_1-.Ltmp5, $4  }
0x3a: {  	[hbm4b:s7+s3] =	stream.linear.scatter [tilespmem:s11], [sflag:$0x1], $0x2780, $0x38;
	[tilespmem:$0x5400] =	vst v63  }
0x3b: {  	_ =	swait.ge [sflag:s9], $0x2780  }
0x3c: {  	[sflag:s9] =	ssyncset.done $0x0  }
0x3d: {  	[sflag:s9] =	ssyncadd.s32 $0xFFFFD880  }
0x3e: {  	_ =	sfence.sel $0x180000  }
0x3f: {  	[bflag:$0x0] =	sbarrier.arrive $0xFFFF  }
0x40: {  	p0 =	sne.s32 s0, $0x0;
	_ =	strace $0x90000047  }
0x41: {  	s0 =	sadd.s32 @!p0 $0x100000, s2;
	[bflag:$0x2] =	sbarrier.arrive $0xFFFF  }
0x42: {  	[sflag:s0] =	ssyncadd.tile.s32 @!p0 $0x1;
	_ =	shalt  }
.Lfunc_end2:
_tile_overlayer_lowered:
.L_overlay_start_2:
0x43: {  	(tag) =	ssettag $0x2  }
0x44: {  	s0 =	rddreg [dreg:$0x0];
	s2 =	stileid.u32  }
0x45: {  	s1 =	rddreg [dreg:$0x1];
	p0 =	sne.s32 s2, $0x0  }
0x46: {  	s3 =	rddreg [dreg:$0x2];
	[bflag:$0x3] =	sbarrier.arrive $0xFFFF;
	s2 =	simm.s32 @!p0 $0x1C01  }
0x47: {  	[timem:s3], [sflag:s2] =	dma.local @!p0 [hbm:s0], s1  }
0x48: {  	s0 =	simm.s32 @!p0 $0x1  }
0x49: {  	_ =	swait.ge @!p0 [sflag:s0], s1  }
0x4a: {  	s1 =	ssub.s32 @!p0 $0x0, s1;
	[sflag:s0] =	ssyncset.done @!p0 $0x0  }
0x4b: {  	[sflag:s0] =	ssyncadd.s32 @!p0 s1  }
0x4c: {  	[bflag:$0x3] =	sbarrier.arrive $0xFFFF  }
0x4d: {  	_ =	shalt  }

// kernel: kernel.13.cloned.1.call-start
scs
__scs_entry_jumppad:
0x0: {  	(pc) =	sbr.rel $0x88, $3  }
0x1: {  	(tag) =	ssettag $0x0;
	lr =	simm.s32 $0x1  }
0x2: {  	[smem:$0x3F8C] =	sst lr;
	_ =	strace $0xD0000000  }
0x3: {  	_ = 	snop  }
0x4: {  	_ = 	snop  }
0x5: {  	_ = 	snop  }
0x6: {  	_ = 	snop  }
0x7: {  	_ = 	snop  }
__scs_overlays_trampoline_lowered:
0x8: {  	[smem:$0x3F9B] =	sst s0  }
0x9: {  	[smem:$0x3F9C] =	sst s1  }
0xa: {  	[smem:$0x3F9D] =	sst s2  }
0xb: {  	[smem:$0x3F9E] =	sst s3  }
0xc: {  	[smem:$0x3F9F] =	sst s4  }
0xd: {  	[smem:$0x3FA0] =	sst s5  }
0xe: {  	[smem:$0x3FA1] =	sst s6  }
0xf: {  	[smem:$0x3FA2] =	sst s7  }
0x10: {  	[smem:$0x3FA3] =	sst s8  }
0x11: {  	[smem:$0x3FA4] =	sst s9;
	s0 =	simm.s32 @!p0 $0x0  }
0x12: {  	s1 =	sld [smem:$0x3F8A];
	s0 =	simm.s32 @p0 $0x1  }
0x13: {  	[smem:$0x3FA5] =	sst s0;
	s0 =	simm.s32 @!p1 $0x0  }
0x14: {  	s2 =	sld [smem:$0x3F89];
	s0 =	simm.s32 @p1 $0x1  }
0x15: {  	[smem:$0x3FA6] =	sst s0;
	s0 =	simm.s32 @!p2 $0x0  }
0x16: {  	s3 =	sld [smem:$0x3FDB];
	s0 =	simm.s32 @p2 $0x1  }
0x17: {  	s4 =	simm.s32 $0x1BF5;
	[smem:$0x3FA8] =	sst s0  }
0x18: {  	s0 =	sld [smem:$0x3F8B];
	_ =	swait.ge [sflag:s4], $0x0  }
0x19: {  	s7 =	sld [smem:$0x3F8C]  }
0x1a: {  	s8 =	sadd.s32 $0xFFFFE003, lr  }
0x1b: {  	s9 =	sadd.s32 $0xFFFFFEF7, lr;
	s5 =	simm.s32 $0xFFFFFFFF;
	p2 =	slt.u32 s8, $0xFFFFF086  }
0x1c: {  	p1 =	slt.u32 s9, $0xF7A;
	s5 =	simm.s32 @!p2 $0x0  }
0x1d: {  	s5 =	simm.s32 @p1 $0x1;
	p0 =	seq.s32 s7, s2  }
0x1e: {  	s7 =	smul.u32 @!p0 $0xF7A, s2;
	p2 =	seq.s32 @!p0 s5, $0x0  }
0x1f: {  	s9 =	smul.u32 $0xF7A, s1;
	s8 =	simm.s32 @!p0 $0x1BF5;
	p2 =	por !p2, p0  }
0x20: {  	[sflag:s8] =	ssyncset.s32 @!p0 $0xFFFFF086;
	s6 =	sadd.s32 @!p0 s3, s7;
	s7 =	simm.s32 @!p0 $0x108  }
0x21: {  	s3 =	sadd.s32 s3, s9;
	s6 =	sadd.s32 @!p0 $0x88, s6;
	s7 =	simm.s32 @p2 $0x1082  }
0x22: {  	[simem:s7], [sflag:s8] =	dma.local @!p0 [hbm:s6], $0xF7A  }
0x23: {  	s9 =	sor.u32 $0xD0000000, s2;
	s6 =	simm.s32 $0x108;
	_ =	swait.ge @!p0 [sflag:s8], $0x0  }
0x24: {  	s3 =	sadd.s32 $0x88, s3;
	s6 =	simm.s32 @!p1 $0x1082;
	[sflag:s4] =	ssyncset.s32 $0xFFFFF086  }
0x25: {  	[simem:s6], [sflag:s4] =	dma.local [hbm:s3], $0xF7A  }
0x26: {  	[smem:$0x3F8C] =	sst s1;
	(tag) =	ssettag s2;
	_ =	strace s9  }
0x27: {  	s1 =	sld [smem:$0x3F9C]  }
0x28: {  	s2 =	sld [smem:$0x3F9D]  }
0x29: {  	s4 =	sld [smem:$0x3F9F]  }
0x2a: {  	p0 =	seq.s32 s5, $0x0;
	s5 =	sld [smem:$0x3FA0]  }
0x2b: {  	s6 =	sld [smem:$0x3FA1]  }
0x2c: {  	s7 =	sld [smem:$0x3FA2]  }
0x2d: {  	s3 =	simm.s32 $0x108;
	s8 =	sld [smem:$0x3FA3]  }
0x2e: {  	s3 =	simm.s32 @!p0 $0x1082;
	s9 =	sld [smem:$0x3FA4]  }
0x2f: {  	lr =	sadd.s32 s0, s3;
	s0 =	sld [smem:$0x3F9B]  }
0x30: {  	s3 =	sld [smem:$0x3F9E]  }
0x31: {  	[smem:$0x3FA7] =	sst s10  }
0x32: {  	s10 =	sld [smem:$0x3FA5];
	_ =	sdelay $0x3  }
0x33: {  	p0 =	seq.s32 s10, $0x1;
	s10 =	sld [smem:$0x3FA7];
	_ =	sdelay $0x3  }
0x34: {  	[smem:$0x3FA7] =	sst s10  }
0x35: {  	s10 =	sld [smem:$0x3FA6];
	_ =	sdelay $0x3  }
0x36: {  	p1 =	seq.s32 s10, $0x1;
	s10 =	sld [smem:$0x3FA7];
	_ =	sdelay $0x3  }
0x37: {  	[smem:$0x3FA7] =	sst s10  }
0x38: {  	s10 =	sld [smem:$0x3FA8]  }
0x39: {  	_ = 	snop;
	(pc) =	sbr.ind lr, $3  }
0x3a: {  	_ = 	snop  }
0x3b: {  	_ = 	snop  }
0x3c: {  	p2 =	seq.s32 s10, $0x1;
	s10 =	sld [smem:$0x3FA7]  }
0x3d: {  	_ =	shalt  }
0x3e: {  	_ =	shalt  }
0x3f: {  	_ =	shalt  }
0x40: {  	_ =	shalt  }
0x41: {  	_ =	shalt  }
0x42: {  	_ =	shalt  }
0x43: {  	_ =	shalt  }
0x44: {  	_ =	shalt  }
0x45: {  	_ =	shalt  }
0x46: {  	_ =	shalt  }
0x47: {  	_ =	shalt  }
0x48: {  	_ =	shalt  }
0x49: {  	_ =	shalt  }
0x4a: {  	_ =	shalt  }
0x4b: {  	_ =	shalt  }
0x4c: {  	_ =	shalt  }
0x4d: {  	_ =	shalt  }
0x4e: {  	_ =	shalt  }
0x4f: {  	_ =	shalt  }
0x50: {  	_ =	shalt  }
0x51: {  	_ =	shalt  }
0x52: {  	_ =	shalt  }
0x53: {  	_ =	shalt  }
0x54: {  	_ =	shalt  }
0x55: {  	_ =	shalt  }
0x56: {  	_ =	shalt  }
0x57: {  	_ =	shalt  }
0x58: {  	_ =	shalt  }
0x59: {  	_ =	shalt  }
0x5a: {  	_ =	shalt  }
0x5b: {  	_ =	shalt  }
0x5c: {  	_ =	shalt  }
0x5d: {  	_ =	shalt  }
0x5e: {  	_ =	shalt  }
0x5f: {  	_ =	shalt  }
0x60: {  	_ =	shalt  }
0x61: {  	_ =	shalt  }
0x62: {  	_ =	shalt  }
0x63: {  	_ =	shalt  }
0x64: {  	_ =	shalt  }
0x65: {  	_ =	shalt  }
0x66: {  	_ =	shalt  }
0x67: {  	_ =	shalt  }
0x68: {  	_ =	shalt  }
0x69: {  	_ =	shalt  }
0x6a: {  	_ =	shalt  }
0x6b: {  	_ =	shalt  }
0x6c: {  	_ =	shalt  }
0x6d: {  	_ =	shalt  }
0x6e: {  	_ =	shalt  }
0x6f: {  	_ =	shalt  }
0x70: {  	_ =	shalt  }
0x71: {  	_ =	shalt  }
0x72: {  	_ =	shalt  }
0x73: {  	_ =	shalt  }
0x74: {  	_ =	shalt  }
0x75: {  	_ =	shalt  }
0x76: {  	_ =	shalt  }
0x77: {  	_ =	shalt  }
0x78: {  	_ =	shalt  }
0x79: {  	_ =	shalt  }
0x7a: {  	_ =	shalt  }
0x7b: {  	_ =	shalt  }
0x7c: {  	_ =	shalt  }
0x7d: {  	_ =	shalt  }
0x7e: {  	_ =	shalt  }
0x7f: {  	_ =	shalt  }
0x80: {  	_ =	shalt  }
0x81: {  	_ =	shalt  }
0x82: {  	_ =	shalt  }
0x83: {  	_ =	shalt  }
0x84: {  	_ =	shalt  }
0x85: {  	_ =	shalt  }
0x86: {  	_ =	shalt  }
0x87: {  	_ =	shalt  }
.Lfunc_end0:
.L_simem_size_0:
called_computation.1_lowered:
.L_overlay_start_0:
0x88: {  	s2 =	sld [smem:$0x3FD9]  }
0x89: {  	s3 =	sld [smem:$0x3FFE];
	_ =	sdelay $0x1  }
0x8a: {  	s1 =	srdreg.scid  }
0x8b: {  	s0 =	sand.u32 $0x1, s1  }
0x8c: {  	s14 =	sshll.u32 s0, $0xA;
	s2 =	sadd.s32 s3, s2  }
0x8d: {  	s2 =	sadd.s32 s2, s14  }
0x8e: {  	[smem:$0x3FB3] =	sst s2  }
0x8f: {  	_ = 	snop  }
0x90: {  	s2 =	sld [smem:$0x3FD0];
	_ =	sdelay $0x2  }
0x91: {  	s15 =	simm.s32 $0xA;
	s4 =	simm.s32 $0x10  }
0x92: {  	[smem:s4], [sflag:s15] =	dma.local [hbm:s2], $0x1  }
0x93: {  	_ =	swait.eq [sflag:s15], $0x1  }
0x94: {  	[sflag:s15] =	ssyncset.done $0x0  }
0x95: {  	s16 =	sld [smem:$0x10];
	[sflag:s15] =	ssyncadd.s32 $0xFFFFFFFF  }
0x96: {  	s17 =	sld [smem:$0x11];
	(tm) =	ssettm $0x1  }
0x97: {  	s18 =	sld [smem:$0x3FFB];
	_ =	sdelay $0x3  }
0x98: {  	_ =	strace s18  }
0x99: {  	s4 =	sld [smem:$0x3FFC];
	_ =	sdelay $0x3  }
0x9a: {  	_ =	strace s4  }
0x9b: {  	s4 =	sld [smem:$0x3FFD];
	_ =	sdelay $0x3  }
0x9c: {  	_ =	strace s4  }
0x9d: {  	_ =	strace $0x8FFFFFFF  }
0x9e: {  	s19 =	sld [smem:$0x3FDB];
	_ =	sdelay $0x1  }
0x9f: {  	s5 =	simm.s32 $_scs_section_size  }
0xa0: {  	s6 =	simm.s32 $_size__tile_overlayer_lowered;
	s7 =	simm.s32 $_tile_overlayer_lowered  }
0xa1: {  	s22 =	simm.s32 $0x1BFF;
	s21 =	sshll.u32 s7, $0x1;
	s4 =	sadd.s32 s5, s19  }
0xa2: {  	s8 =	simm.s32 $0x0;
	s20 =	sshll.u32 s6, $0x1;
	s6 =	sadd.s32 s21, s4  }
0xa3: {  	[timem:s8], [sflag:s22] =	dma.local [hbm:s6], s20  }
0xa4: {  	_ =	swait.ge [sflag:s22], s20  }
0xa5: {  	s5 =	ssub.s32 $0x0, s20;
	[sflag:s22] =	ssyncset.done $0x0  }
0xa6: {  	[sflag:s22] =	ssyncadd.s32 s5;
	_ =	sdelay $0x1  }
0xa7: {  	s23 =	simm.s32 $0x1B8B  }
0xa8: {  	_ =	swait.ge [sflag:s23], $0x1  }
0xa9: {  	[sflag:s23] =	ssyncset.done $0x0  }
0xaa: {  	s25 =	simm.s32 $0x1B8E;
	s24 =	sld [smem:$0x3FFE];
	[sflag:s23] =	ssyncadd.s32 $0xFFFFFFFF  }
0xab: {  	s26 =	simm.s32 $execute0_lowered;
	[smem:$0x3FD2] =	sst s25  }
0xac: {  	s6 =	sshll.u32 s26, $0x1;
	_ =	strace $0x80000049;
	[dreg:$0x1] =	wrdreg $0xFFFFFFFF  }
0xad: {  	s28 =	simm.s32 $_size_execute0_lowered;
	s4 =	sadd.s32 s4, s6;
	[dreg:$0x0] =	wrdreg $0x0  }
0xae: {  	s6 =	sshll.u32 s28, $0x1;
	[dreg:$0x2] =	wrdreg s4  }
0xaf: {  	[dreg:$0x3] =	wrdreg s6  }
0xb0: {  	[dreg:$0x4] =	wrdreg $0xC0  }
0xb1: {  	_ =	task [dreg:s8], $0x5FFFF  }
0xb2: {  	[dreg:$0x1] =	wrdreg $0xFFFFFFFF  }
0xb3: {  	[dreg:$0x0] =	wrdreg $0x60  }
0xb4: {  	[dreg:$0x2] =	wrdreg s24  }
0xb5: {  	[dreg:$0x3] =	wrdreg s17  }
0xb6: {  	[dreg:$0x4] =	wrdreg s16  }
0xb7: {  	[dreg:$0x5] =	wrdreg $0x82000  }
0xb8: {  	[dreg:$0x6] =	wrdreg $0x9  }
0xb9: {  	_ =	task.clear_ibuf [dreg:s8], $0x7FFFF;
	_ =	strace $0x90000049  }
0xba: {  	s29 =	simm.s32 $0x9;
	_ =	strace $0x8000004B  }
0xbb: {  	_ =	swait.ge [sflag:s29], $0x1  }
0xbc: {  	[sflag:s29] =	ssyncadd.s32 $0xFFFFFFFF  }
0xbd: {  	_ =	strace $0x9000004B  }
0xbe: {  	_ =	sfence  }
0xbf: {  	s30 =	sld [smem:$0x0];
	_ =	sdelay $0x2  }
0xc0: {  	s31 =	sshll.u32 s1, $0xD;
	s1 =	sshrl.u32 s1, $0x2  }
0xc1: {  	s3 =	sand.u32 $0x4000, s31;
	s1 =	sadd.s32 s1, s30  }
0xc2: {  	s0 =	sor.u32 s3, s0;
	s1 =	sshll.u32 s1, $0x11  }
0xc3: {  	s0 =	sor.u32 s1, s0  }
0xc4: {  	s0 =	sadd.s32 $0x8F2B, s0  }
0xc5: {  	[sflag:s0] =	ssyncadd.remote.s32 $0x1  }
0xc6: {  	_ =	sfence.sel $0xFFFF  }
0xc7: {  	[dreg:$0x0] =	wrdreg $0xFFFFFFFF;
	(pc) =	sbr.abs _section_cstart, $3  }
0xc8: {  	[dreg:$0x1] =	wrdreg $0xFFFFFFFF  }
0xc9: {  	_ =	task.clear_ibuf [dreg:s8], $0x2FFFF;
	_ =	strace $0x9FFFFFFF  }
0xca: {  	(tm) =	ssettm $0x7FFFFFFF  }
0xcb: {  	_ =	shalt  }
tec
execute0_lowered:
.L_overlay_start_1:
0x0: {  	(tag) =	ssettag $0x1  }
0x1: {  	s0 =	rddreg [dreg:$0x0]  }
0x2: {  	s1 =	rddreg [dreg:$0x1]  }
0x3: {  	s2 =	rddreg [dreg:$0x3];
	s3 =	srdreg.scid  }
0x4: {  	s4 =	simm.s32 $0x0;
	s12 =	stileid.u32;
	s28 =	simm.s32 $0x4200  }
0x5: {  	s29 =	simm.s32 $0x1;
	s30 =	simm.s32 $0x3;
	s7 =	smul.u32 $0x13C00, s12  }
0x6: {  	s31 =	simm.s32 $0x2;
	s3 =	sand.u32 $0x1, s3;
	s8 =	smul.u32 $0x3900, s12  }
0x7: {  	[smem:$0x7FF] =	sst s4;
	s5 =	sadd.s32 $0xD400, s0;
	s11 =	smul.u32 $0x1700, s12  }
0x8: {  	s9 =	sadd.s32 $0x3400, s0;
	s13 =	smul.u32 $0x4F000, s12;
	s15 =	sshll.u32 s12, $0x6  }
0x9: {  	s6 =	smul.u32 $0x13C000, s3;
	_ =	strace $0x8000004A;
	s26 =	ssub.s32 $0x2, s3  }
0xa: {  	p0 =	seq.s32 s3, $0x0;
	s10 =	sshrl.u32 s26, $0x1;
	s3 =	sadd.s32 $0x39000, s11  }
0xb: {  	s14 =	sshrl.u32 s13, $0x2;
	s6 =	sadd.s32 s7, s6;
	s7 =	ssub.s32 s26, s10  }
0xc: {  	s3 =	smov.u32 @p0 s8;
	s8 =	sadd.s32 s14, s2;
	s6 =	sshrl.u32 s6, $0x3  }
0xd: {  	[dreg:$0x6] =	wrdreg s8;
	s3 =	sshrl.u32 s3, $0x3;
	s8 =	sor.u32 $0x1C03, s15  }
0xe: {  	s14 =	smax.u32 s7, $0x1;
	s0 =	sadd.s32 s6, s0;
	s6 =	simm.s32 $0x72  }
0xf: {  	s16 =	sadd.s32 s1, s3;
	s17 =	sor.u32 $0x10, s3;
	s18 =	sadd.s32 s9, s3  }
0x10: {  	s21 =	sadd.s32 $0x50, s3;
	s24 =	sadd.s32 $0x40, s3;
	s26 =	sadd.s32 $0x20, s3  }
0x11: {  	s3 =	sadd.s32 $0x30, s3;
	s6 =	simm.s32 @!p0 $0x2E;
	[dreg:$0x7] =	wrdreg s16  }
0x12: {  	[dreg:$0x8] =	wrdreg s18;
	s19 =	sadd.s32 s1, s17;
	s10 =	sadd.s32 s9, s17  }
0x13: {  	s0 =	sadd.s32 $0x34C00, s0;
	s22 =	sadd.s32 s21, s9;
	s23 =	sadd.s32 s21, s1  }
0x14: {  	s25 =	sadd.s32 s24, s9;
	s7 =	sadd.s32 s24, s1;
	[dreg:$0x9] =	wrdreg s19  }
0x15: {  	s21 =	sadd.s32 s3, s9;
	s24 =	simm.s32 $0x80;
	[dreg:$0xa] =	wrdreg s10  }
0x16: {  	[dreg:$0xb] =	wrdreg s0;
	s20 =	sshll.u32 s6, $0x4;
	s16 =	sadd.s32 $0xFFFFFFE0, s22  }
0x17: {  	s17 =	sadd.s32 $0xFFFFFFE0, s23;
	s18 =	sadd.s32 $0xFFFFFFE0, s25;
	s19 =	sadd.s32 $0xFFFFFFE0, s7  }
0x18: {  	s0 =	sadd.s32 s26, s1;
	s22 =	sadd.s32 s3, s1;
	s23 =	simm.s32 $0x100  }
0x19: {  	s25 =	simm.s32 $0x200;
	s15 =	sadd.s32 $0xFFFFFFE0, s20;
	s20 =	sadd.s32 s26, s9  }
0x1a: {  	[dreg:$0x5] =	wrdreg s0;
	s26 =	simm.s32 $0x180;
	s0 =	simm.s32 $0x0  }
.LBB2_1:
0x1b: {  	s1 =	rddreg [dreg:$0x6]  }
0x1c: {  	s9 =	rddreg [dreg:$0x2];
	s3 =	sshrl.u32 s1, $0x3  }
0x1d: {  	[spmem:s3], [sflag:s8] =	dma.local [hbm:s9], $0x2780  }
0x1e: {  	_ =	swait.ge [sflag:s30], $0x2780  }
0x1f: {  	[sflag:s30] =	ssyncset.done $0x0  }
0x20: {  	[sflag:s30] =	ssyncadd.s32 $0xFFFFD880  }
0x21: {  	[bflag:$0x0] =	sbarrier.arrive $0xFFFF  }
0x22: {  	s10 =	rddreg [dreg:$0x7]  }
0x23: {  	[tilespmem:s4], [sflag:$0x3] =	stream.linear.gather [hbm4b:s10+s4], $0x80, $0x38;
	[tilespmem:$0x1BE00] =	vst v63  }
0x24: {  	_ =	swait.ge [sflag:s30], $0x80  }
0x25: {  	[sflag:s30] =	ssyncset.done $0x0  }
0x26: {  	s11 =	rddreg [dreg:$0x8];
	[sflag:s30] =	ssyncadd.s32 $0xFFFFFF80  }
0x27: {  	[tilespmem:s23], [sflag:$0x3] =	stream.linear.gather [hbm4b:s11+s4], $0x80, $0x38;
	[tilespmem:$0x1BE00] =	vst v63  }
0x28: {  	_ =	swait.ge [sflag:s30], $0x80  }
0x29: {  	[sflag:s30] =	ssyncset.done $0x0  }
0x2a: {  	[sflag:s30] =	ssyncadd.s32 $0xFFFFFF80  }
0x2b: {  	[tilespmem:s25], [sflag:$0x1] =	stream.indirect.gather [hbm4b:s5+s24], $0x80, s4, s24, $0xb8;
	[tilespmem:$0x1BE00] =	vst v63  }
0x2c: {  	s12 =	rddreg [dreg:$0x9]  }
0x2d: {  	[tilespmem:s24], [sflag:$0x3] =	stream.linear.gather [hbm4b:s12+s4], $0x80, $0x38;
	[tilespmem:$0x1BE00] =	vst v63  }
0x2e: {  	_ =	swait.ge [sflag:s30], $0x80  }
0x2f: {  	[sflag:s30] =	ssyncset.done $0x0  }
0x30: {  	s13 =	rddreg [dreg:$0xa];
	[sflag:s30] =	ssyncadd.s32 $0xFFFFFF80  }
0x31: {  	[tilespmem:s26], [sflag:$0x3] =	stream.linear.gather [hbm4b:s13+s4], $0x80, $0x38;
	[tilespmem:$0x1BE00] =	vst v63  }
0x32: {  	_ =	swait.ge [sflag:s30], $0x80  }
0x33: {  	[sflag:s30] =	ssyncset.done $0x0  }
0x34: {  	[sflag:s30] =	ssyncadd.s32 $0xFFFFFF80  }
0x35: {  	[tilespmem:s28], [sflag:$0x2] =	stream.indirect.gather [hbm4b:s5+s24], $0x80, s24, s24, $0xb8;
	[tilespmem:$0x1BE00] =	vst v63  }
0x36: {  	_ =	swait.ge [sflag:s29], $0x4000  }
0x37: {  	[sflag:s29] =	ssyncset.done $0x0  }
0x38: {  	[sflag:s29] =	ssyncadd.s32 $0xFFFFC000  }
0x39: {  	[spmem:s2] =	stream.indirect.scatter.add.f32 [tilespmem:s25], [sflag:$0x3], $0x80, s23, s24, $0xb8;
	[tilespmem:$0x1BE00] =	vst v63  }
0x3a: {  	p0 =	sle.u32 s6, $0x2;
	_ =	swait.ge [sflag:s30], $0x4000  }
0x3b: {  	s7 =	simm.s32 @!p0 $0x0;
	s1 =	rddreg [dreg:$0x5];
	[sflag:s30] =	ssyncset.done $0x0  }
0x3c: {  	s9 =	simm.s32 @!p0 $0x3;
	[sflag:s30] =	ssyncadd.s32 $0xFFFFC000;
	s1 =	sadd.s32 @!p0 $0x0, s1  }
0x3d: {  	[tilespmem:s7], [sflag:$0x3] =	stream.linear.gather @!p0 [hbm4b:s1+s7], $0x80, $0x38;
	[tilespmem:$0x1BE00] =	vst v63  }
0x3e: {  	_ =	swait.ge @!p0 [sflag:s9], $0x80  }
0x3f: {  	[sflag:s9] =	ssyncset.done @!p0 $0x0  }
0x40: {  	s10 =	simm.s32 @!p0 $0x100;
	s1 =	sadd.s32 @!p0 $0x0, s20;
	[sflag:s9] =	ssyncadd.s32 @!p0 $0xFFFFFF80  }
0x41: {  	[tilespmem:s10], [sflag:$0x3] =	stream.linear.gather @!p0 [hbm4b:s1+s7], $0x80, $0x38;
	[tilespmem:$0x1BE00] =	vst v63  }
0x42: {  	_ =	swait.ge @!p0 [sflag:s9], $0x80  }
0x43: {  	[sflag:s9] =	ssyncset.done @!p0 $0x0  }
0x44: {  	s1 =	simm.s32 @!p0 $0x80;
	s10 =	simm.s32 @!p0 $0x200;
	[sflag:s9] =	ssyncadd.s32 @!p0 $0xFFFFFF80  }
0x45: {  	[tilespmem:s10], [sflag:$0x1] =	stream.indirect.gather @!p0 [hbm4b:s5+s1], $0x80, s7, s1, $0xb8;
	[tilespmem:$0x1BE00] =	vst v63  }
0x46: {  	_ =	swait.ge [sflag:s31], $0x4000  }
0x47: {  	[sflag:s31] =	ssyncset.done $0x0  }
0x48: {  	[sflag:s31] =	ssyncadd.s32 $0xFFFFC000  }
0x49: {  	[spmem:s2] =	stream.indirect.scatter.add.f32 [tilespmem:s28], [sflag:$0x3], $0x80, s26, s24, $0xb8;
	[tilespmem:$0x1BE00] =	vst v63  }
0x4a: {  	p1 =	sle.u32 s6, $0x3;
	_ =	swait.ge [sflag:s30], $0x4000  }
0x4b: {  	s11 =	simm.s32 @!p1 $0x3;
	s1 =	sadd.s32 @!p1 $0x0, s22;
	[sflag:s30] =	ssyncset.done $0x0  }
0x4c: {  	s10 =	simm.s32 @!p1 $0x80;
	s7 =	simm.s32 @!p1 $0x0;
	[sflag:s30] =	ssyncadd.s32 $0xFFFFC000  }
0x4d: {  	[tilespmem:s10], [sflag:$0x3] =	stream.linear.gather @!p1 [hbm4b:s1+s7], $0x80, $0x38;
	[tilespmem:$0x1BE00] =	vst v63  }
0x4e: {  	p0 =	sne.s32 s15, $0x20;
	_ =	swait.ge @!p1 [sflag:s11], $0x80  }
.Ltmp0:
0x4f: {  	[sflag:s11] =	ssyncset.done @!p1 $0x0;
	(pc) =	sbr.rel @!p0 .LBB2_3-.Ltmp0, $4  }
0x50: {  	s9 =	sadd.s32 @!p1 $0x0, s21;
	s1 =	simm.s32 @!p1 $0x180;
	[sflag:s11] =	ssyncadd.s32 @!p1 $0xFFFFFF80  }
0x51: {  	[tilespmem:s1], [sflag:$0x3] =	stream.linear.gather @!p1 [hbm4b:s9+s7], $0x80, $0x38;
	[tilespmem:$0x1BE00] =	vst v63  }
0x52: {  	s12 =	simm.s32 @!p1 $0x4200;
	_ =	swait.ge @!p1 [sflag:s11], $0x80  }
0x53: {  	s1 =	simm.s32 $0x20;
	s7 =	simm.s32 $0x3;
	[sflag:s11] =	ssyncset.done @!p1 $0x0  }
.LBB2_2:
0x54: {  	[sflag:s11] =	ssyncadd.s32 @!p1 $0xFFFFFF80  }
0x55: {  	[tilespmem:s12], [sflag:$0x2] =	stream.indirect.gather @!p1 [hbm4b:s5+s10], $0x80, s10, s10, $0xb8;
	[tilespmem:$0x1BE00] =	vst v63  }
0x56: {  	_ =	swait.ge [sflag:s29], $0x4000  }
0x57: {  	s7 =	sadd.s32 $0x2, s7;
	[sflag:s29] =	ssyncset.done $0x0  }
0x58: {  	s13 =	sadd.s32 $0xFFFFFFFF, s7;
	[sflag:s29] =	ssyncadd.s32 $0xFFFFC000  }
0x59: {  	[spmem:s2] =	stream.indirect.scatter.add.f32 [tilespmem:s25], [sflag:$0x3], $0x80, s23, s24, $0xb8;
	[tilespmem:$0x1BE00] =	vst v63  }
0x5a: {  	s9 =	smov.u32 s1;
	p1 =	sge.u32 s13, s6;
	_ =	swait.ge [sflag:s30], $0x4000  }
0x5b: {  	s10 =	simm.s32 @!p1 $0x0;
	s11 =	rddreg [dreg:$0x5];
	[sflag:s30] =	ssyncset.done $0x0  }
0x5c: {  	s12 =	simm.s32 @!p1 $0x3;
	[sflag:s30] =	ssyncadd.s32 $0xFFFFC000;
	s11 =	sadd.s32 @!p1 s9, s11  }
0x5d: {  	[tilespmem:s10], [sflag:$0x3] =	stream.linear.gather @!p1 [hbm4b:s11+s10], $0x80, $0x38;
	[tilespmem:$0x1BE00] =	vst v63  }
0x5e: {  	_ =	swait.ge @!p1 [sflag:s12], $0x80  }
0x5f: {  	[sflag:s12] =	ssyncset.done @!p1 $0x0  }
0x60: {  	s13 =	simm.s32 @!p1 $0x100;
	s11 =	sadd.s32 @!p1 s9, s20;
	[sflag:s12] =	ssyncadd.s32 @!p1 $0xFFFFFF80  }
0x61: {  	[tilespmem:s13], [sflag:$0x3] =	stream.linear.gather @!p1 [hbm4b:s11+s10], $0x80, $0x38;
	[tilespmem:$0x1BE00] =	vst v63  }
0x62: {  	_ =	swait.ge @!p1 [sflag:s12], $0x80  }
0x63: {  	[sflag:s12] =	ssyncset.done @!p1 $0x0  }
0x64: {  	s11 =	simm.s32 @!p1 $0x80;
	s13 =	simm.s32 @!p1 $0x200;
	[sflag:s12] =	ssyncadd.s32 @!p1 $0xFFFFFF80  }
0x65: {  	[tilespmem:s13], [sflag:$0x1] =	stream.indirect.gather @!p1 [hbm4b:s5+s11], $0x80, s10, s11, $0xb8;
	[tilespmem:$0x1BE00] =	vst v63  }
0x66: {  	_ =	swait.ge [sflag:s31], $0x4000  }
0x67: {  	[sflag:s31] =	ssyncset.done $0x0  }
0x68: {  	[sflag:s31] =	ssyncadd.s32 $0xFFFFC000  }
0x69: {  	[spmem:s2] =	stream.indirect.scatter.add.f32 [tilespmem:s28], [sflag:$0x3], $0x80, s26, s24, $0xb8;
	[tilespmem:$0x1BE00] =	vst v63  }
0x6a: {  	s1 =	sadd.s32 $0x20, s1;
	p1 =	sge.u32 s7, s6;
	_ =	swait.ge [sflag:s30], $0x4000  }
0x6b: {  	s12 =	sadd.s32 @!p1 s9, s22;
	s10 =	simm.s32 @!p1 $0x80;
	[sflag:s30] =	ssyncset.done $0x0  }
0x6c: {  	s13 =	simm.s32 @!p1 $0x0;
	s11 =	simm.s32 @!p1 $0x3;
	[sflag:s30] =	ssyncadd.s32 $0xFFFFC000  }
0x6d: {  	[tilespmem:s10], [sflag:$0x3] =	stream.linear.gather @!p1 [hbm4b:s12+s13], $0x80, $0x38;
	[tilespmem:$0x1BE00] =	vst v63  }
0x6e: {  	p0 =	sne.s32 s15, s1;
	_ =	swait.ge @!p1 [sflag:s11], $0x80  }
.Ltmp1:
0x6f: {  	[sflag:s11] =	ssyncset.done @!p1 $0x0;
	(pc) =	sbr.rel @p0 .LBB2_2-.Ltmp1, $4  }
0x70: {  	s9 =	sadd.s32 @!p1 s9, s21;
	s12 =	simm.s32 @!p1 $0x180;
	[sflag:s11] =	ssyncadd.s32 @!p1 $0xFFFFFF80  }
0x71: {  	[tilespmem:s12], [sflag:$0x3] =	stream.linear.gather @!p1 [hbm4b:s9+s13], $0x80, $0x38;
	[tilespmem:$0x1BE00] =	vst v63  }
0x72: {  	_ =	swait.ge @!p1 [sflag:s11], $0x80  }
0x73: {  	s12 =	simm.s32 @!p1 $0x4200;
	[sflag:s11] =	ssyncset.done @!p1 $0x0  }
.LBB2_3:
0x74: {  	[sflag:s11] =	ssyncadd.s32 @!p1 $0xFFFFFF80  }
0x75: {  	[tilespmem:s12], [sflag:$0x2] =	stream.indirect.gather @!p1 [hbm4b:s5+s10], $0x80, s10, s10, $0xb8;
	[tilespmem:$0x1BE00] =	vst v63  }
0x76: {  	_ =	swait.ge [sflag:s29], $0x4000  }
0x77: {  	[sflag:s29] =	ssyncset.done $0x0  }
0x78: {  	s7 =	sadd.s32 $0x2, s7;
	[sflag:s29] =	ssyncadd.s32 $0xFFFFC000  }
0x79: {  	[spmem:s2] =	stream.indirect.scatter.add.f32 [tilespmem:s25], [sflag:$0x3], $0x80, s23, s24, $0xb8;
	[tilespmem:$0x1BE00] =	vst v63  }
0x7a: {  	s9 =	sadd.s32 $0xFFFFFFFF, s7;
	_ =	swait.ge [sflag:s30], $0x4000  }
0x7b: {  	p0 =	sge.u32 s9, s6;
	[sflag:s30] =	ssyncset.done $0x0  }
0x7c: {  	s9 =	sadd.s32 @!p0 s1, s19;
	s10 =	simm.s32 @!p0 $0x0;
	[sflag:s30] =	ssyncadd.s32 $0xFFFFC000  }
0x7d: {  	[tilespmem:s10], [sflag:$0x3] =	stream.linear.gather @!p0 [hbm4b:s9+s10], $0x80, $0x38;
	[tilespmem:$0x1BE00] =	vst v63  }
0x7e: {  	s9 =	simm.s32 @!p0 $0x3  }
0x7f: {  	_ =	swait.ge @!p0 [sflag:s9], $0x80  }
0x80: {  	[sflag:s9] =	ssyncset.done @!p0 $0x0  }
0x81: {  	s11 =	sadd.s32 @!p0 s1, s18;
	s12 =	simm.s32 @!p0 $0x100;
	[sflag:s9] =	ssyncadd.s32 @!p0 $0xFFFFFF80  }
0x82: {  	[tilespmem:s12], [sflag:$0x3] =	stream.linear.gather @!p0 [hbm4b:s11+s10], $0x80, $0x38;
	[tilespmem:$0x1BE00] =	vst v63  }
0x83: {  	_ =	swait.ge @!p0 [sflag:s9], $0x80  }
0x84: {  	[sflag:s9] =	ssyncset.done @!p0 $0x0  }
0x85: {  	s11 =	simm.s32 @!p0 $0x200;
	[sflag:s9] =	ssyncadd.s32 @!p0 $0xFFFFFF80;
	s9 =	simm.s32 @!p0 $0x80  }
0x86: {  	[tilespmem:s11], [sflag:$0x1] =	stream.indirect.gather @!p0 [hbm4b:s5+s9], $0x80, s10, s9, $0xb8;
	[tilespmem:$0x1BE00] =	vst v63  }
0x87: {  	_ =	swait.ge [sflag:s31], $0x4000  }
0x88: {  	[sflag:s31] =	ssyncset.done $0x0  }
0x89: {  	[sflag:s31] =	ssyncadd.s32 $0xFFFFC000  }
0x8a: {  	[spmem:s2] =	stream.indirect.scatter.add.f32 [tilespmem:s28], [sflag:$0x3], $0x80, s26, s24, $0xb8;
	[tilespmem:$0x1BE00] =	vst v63  }
0x8b: {  	p0 =	sge.u32 s7, s6;
	_ =	swait.ge [sflag:s30], $0x4000  }
0x8c: {  	s7 =	sadd.s32 @!p0 s1, s17;
	[sflag:s30] =	ssyncset.done $0x0  }
0x8d: {  	s9 =	simm.s32 @!p0 $0x0;
	s10 =	simm.s32 @!p0 $0x80;
	[sflag:s30] =	ssyncadd.s32 $0xFFFFC000  }
0x8e: {  	[tilespmem:s10], [sflag:$0x3] =	stream.linear.gather @!p0 [hbm4b:s7+s9], $0x80, $0x38;
	[tilespmem:$0x1BE00] =	vst v63  }
0x8f: {  	s7 =	simm.s32 @!p0 $0x3  }
0x90: {  	_ =	swait.ge @!p0 [sflag:s7], $0x80  }
0x91: {  	[sflag:s7] =	ssyncset.done @!p0 $0x0  }
0x92: {  	s1 =	sadd.s32 @!p0 s1, s16;
	s11 =	simm.s32 @!p0 $0x180;
	[sflag:s7] =	ssyncadd.s32 @!p0 $0xFFFFFF80  }
0x93: {  	[tilespmem:s11], [sflag:$0x3] =	stream.linear.gather @!p0 [hbm4b:s1+s9], $0x80, $0x38;
	[tilespmem:$0x1BE00] =	vst v63  }
0x94: {  	_ =	swait.ge @!p0 [sflag:s7], $0x80  }
0x95: {  	[sflag:s7] =	ssyncset.done @!p0 $0x0  }
0x96: {  	s0 =	sadd.s32 $0x1, s0;
	s1 =	simm.s32 @!p0 $0x4200;
	[sflag:s7] =	ssyncadd.s32 @!p0 $0xFFFFFF80  }
0x97: {  	[tilespmem:s1], [sflag:$0x2] =	stream.indirect.gather @!p0 [hbm4b:s5+s10], $0x80, s10, s10, $0xb8;
	[tilespmem:$0x1BE00] =	vst v63  }
0x98: {  	p0 =	sne.s32 s0, s14;
	[bflag:$0x0] =	sbarrier.arrive $0xFFFF  }
.Ltmp2:
0x99: {  	s13 =	rddreg [dreg:$0xb];
	(pc) =	sbr.rel @p0 .LBB2_1-.Ltmp2, $4  }
0x9a: {  	[hbm:s13], [sflag:s8] =	dma.local [spmem:s3], $0x2780  }
0x9b: {  	_ =	swait.ge [sflag:s30], $0x2780  }
0x9c: {  	[sflag:s30] =	ssyncset.done $0x0  }
0x9d: {  	[sflag:s30] =	ssyncadd.s32 $0xFFFFD880  }
0x9e: {  	_ =	sfence.sel $0x180000  }
0x9f: {  	[bflag:$0x0] =	sbarrier.arrive $0xFFFF  }
0xa0: {  	_ =	strace $0x9000004A  }
0xa1: {  	s0 =	stileid.u32;
	[bflag:$0x2] =	sbarrier.arrive $0xFFFF  }
0xa2: {  	p0 =	sne.s32 s0, $0x0;
	s0 =	rddreg [dreg:$0x4]  }
0xa3: {  	s0 =	sadd.s32 @!p0 $0x100000, s0  }
0xa4: {  	[sflag:s0] =	ssyncadd.tile.s32 @!p0 $0x1;
	_ =	shalt  }
.Lfunc_end2:
_tile_overlayer_lowered:
.L_overlay_start_2:
0xa5: {  	(tag) =	ssettag $0x2  }
0xa6: {  	s0 =	rddreg [dreg:$0x0];
	s2 =	stileid.u32  }
0xa7: {  	s1 =	rddreg [dreg:$0x1];
	p0 =	sne.s32 s2, $0x0  }
0xa8: {  	s3 =	rddreg [dreg:$0x2];
	[bflag:$0x3] =	sbarrier.arrive $0xFFFF;
	s2 =	simm.s32 @!p0 $0x1C03  }
0xa9: {  	[timem:s3], [sflag:s2] =	dma.local @!p0 [hbm:s0], s1  }
0xaa: {  	s0 =	simm.s32 @!p0 $0x3  }
0xab: {  	_ =	swait.ge @!p0 [sflag:s0], s1  }
0xac: {  	s1 =	ssub.s32 @!p0 $0x0, s1;
	[sflag:s0] =	ssyncset.done @!p0 $0x0  }
0xad: {  	[sflag:s0] =	ssyncadd.s32 @!p0 s1  }
0xae: {  	[bflag:$0x3] =	sbarrier.arrive $0xFFFF  }
0xaf: {  	_ =	shalt  }

// kernel: kernel.16.cloned.1.call-start
scs
__scs_entry_jumppad:
0x0: {  	(pc) =	sbr.rel $0x88, $3  }
0x1: {  	(tag) =	ssettag $0x0;
	lr =	simm.s32 $0x1  }
0x2: {  	[smem:$0x3F8C] =	sst lr;
	_ =	strace $0xD0000000  }
0x3: {  	_ = 	snop  }
0x4: {  	_ = 	snop  }
0x5: {  	_ = 	snop  }
0x6: {  	_ = 	snop  }
0x7: {  	_ = 	snop  }
__scs_overlays_trampoline_lowered:
0x8: {  	[smem:$0x3F9B] =	sst s0  }
0x9: {  	[smem:$0x3F9C] =	sst s1  }
0xa: {  	[smem:$0x3F9D] =	sst s2  }
0xb: {  	[smem:$0x3F9E] =	sst s3  }
0xc: {  	[smem:$0x3F9F] =	sst s4  }
0xd: {  	[smem:$0x3FA0] =	sst s5  }
0xe: {  	[smem:$0x3FA1] =	sst s6  }
0xf: {  	[smem:$0x3FA2] =	sst s7  }
0x10: {  	[smem:$0x3FA3] =	sst s8  }
0x11: {  	[smem:$0x3FA4] =	sst s9;
	s0 =	simm.s32 @!p0 $0x0  }
0x12: {  	s1 =	sld [smem:$0x3F8A];
	s0 =	simm.s32 @p0 $0x1  }
0x13: {  	[smem:$0x3FA5] =	sst s0;
	s0 =	simm.s32 @!p1 $0x0  }
0x14: {  	s2 =	sld [smem:$0x3F89];
	s0 =	simm.s32 @p1 $0x1  }
0x15: {  	[smem:$0x3FA6] =	sst s0;
	s0 =	simm.s32 @!p2 $0x0  }
0x16: {  	s3 =	sld [smem:$0x3FDB];
	s0 =	simm.s32 @p2 $0x1  }
0x17: {  	s4 =	simm.s32 $0x1BF5;
	[smem:$0x3FA8] =	sst s0  }
0x18: {  	s0 =	sld [smem:$0x3F8B];
	_ =	swait.ge [sflag:s4], $0x0  }
0x19: {  	s7 =	sld [smem:$0x3F8C]  }
0x1a: {  	s8 =	sadd.s32 $0xFFFFE003, lr  }
0x1b: {  	s9 =	sadd.s32 $0xFFFFFEF7, lr;
	s5 =	simm.s32 $0xFFFFFFFF;
	p2 =	slt.u32 s8, $0xFFFFF086  }
0x1c: {  	p1 =	slt.u32 s9, $0xF7A;
	s5 =	simm.s32 @!p2 $0x0  }
0x1d: {  	s5 =	simm.s32 @p1 $0x1;
	p0 =	seq.s32 s7, s2  }
0x1e: {  	s7 =	smul.u32 @!p0 $0xF7A, s2;
	p2 =	seq.s32 @!p0 s5, $0x0  }
0x1f: {  	s9 =	smul.u32 $0xF7A, s1;
	s8 =	simm.s32 @!p0 $0x1BF5;
	p2 =	por !p2, p0  }
0x20: {  	[sflag:s8] =	ssyncset.s32 @!p0 $0xFFFFF086;
	s6 =	sadd.s32 @!p0 s3, s7;
	s7 =	simm.s32 @!p0 $0x108  }
0x21: {  	s3 =	sadd.s32 s3, s9;
	s6 =	sadd.s32 @!p0 $0x88, s6;
	s7 =	simm.s32 @p2 $0x1082  }
0x22: {  	[simem:s7], [sflag:s8] =	dma.local @!p0 [hbm:s6], $0xF7A  }
0x23: {  	s9 =	sor.u32 $0xD0000000, s2;
	s6 =	simm.s32 $0x108;
	_ =	swait.ge @!p0 [sflag:s8], $0x0  }
0x24: {  	s3 =	sadd.s32 $0x88, s3;
	s6 =	simm.s32 @!p1 $0x1082;
	[sflag:s4] =	ssyncset.s32 $0xFFFFF086  }
0x25: {  	[simem:s6], [sflag:s4] =	dma.local [hbm:s3], $0xF7A  }
0x26: {  	[smem:$0x3F8C] =	sst s1;
	(tag) =	ssettag s2;
	_ =	strace s9  }
0x27: {  	s1 =	sld [smem:$0x3F9C]  }
0x28: {  	s2 =	sld [smem:$0x3F9D]  }
0x29: {  	s4 =	sld [smem:$0x3F9F]  }
0x2a: {  	p0 =	seq.s32 s5, $0x0;
	s5 =	sld [smem:$0x3FA0]  }
0x2b: {  	s6 =	sld [smem:$0x3FA1]  }
0x2c: {  	s7 =	sld [smem:$0x3FA2]  }
0x2d: {  	s3 =	simm.s32 $0x108;
	s8 =	sld [smem:$0x3FA3]  }
0x2e: {  	s3 =	simm.s32 @!p0 $0x1082;
	s9 =	sld [smem:$0x3FA4]  }
0x2f: {  	lr =	sadd.s32 s0, s3;
	s0 =	sld [smem:$0x3F9B]  }
0x30: {  	s3 =	sld [smem:$0x3F9E]  }
0x31: {  	[smem:$0x3FA7] =	sst s10  }
0x32: {  	s10 =	sld [smem:$0x3FA5];
	_ =	sdelay $0x3  }
0x33: {  	p0 =	seq.s32 s10, $0x1;
	s10 =	sld [smem:$0x3FA7];
	_ =	sdelay $0x3  }
0x34: {  	[smem:$0x3FA7] =	sst s10  }
0x35: {  	s10 =	sld [smem:$0x3FA6];
	_ =	sdelay $0x3  }
0x36: {  	p1 =	seq.s32 s10, $0x1;
	s10 =	sld [smem:$0x3FA7];
	_ =	sdelay $0x3  }
0x37: {  	[smem:$0x3FA7] =	sst s10  }
0x38: {  	s10 =	sld [smem:$0x3FA8]  }
0x39: {  	_ = 	snop;
	(pc) =	sbr.ind lr, $3  }
0x3a: {  	_ = 	snop  }
0x3b: {  	_ = 	snop  }
0x3c: {  	p2 =	seq.s32 s10, $0x1;
	s10 =	sld [smem:$0x3FA7]  }
0x3d: {  	_ =	shalt  }
0x3e: {  	_ =	shalt  }
0x3f: {  	_ =	shalt  }
0x40: {  	_ =	shalt  }
0x41: {  	_ =	shalt  }
0x42: {  	_ =	shalt  }
0x43: {  	_ =	shalt  }
0x44: {  	_ =	shalt  }
0x45: {  	_ =	shalt  }
0x46: {  	_ =	shalt  }
0x47: {  	_ =	shalt  }
0x48: {  	_ =	shalt  }
0x49: {  	_ =	shalt  }
0x4a: {  	_ =	shalt  }
0x4b: {  	_ =	shalt  }
0x4c: {  	_ =	shalt  }
0x4d: {  	_ =	shalt  }
0x4e: {  	_ =	shalt  }
0x4f: {  	_ =	shalt  }
0x50: {  	_ =	shalt  }
0x51: {  	_ =	shalt  }
0x52: {  	_ =	shalt  }
0x53: {  	_ =	shalt  }
0x54: {  	_ =	shalt  }
0x55: {  	_ =	shalt  }
0x56: {  	_ =	shalt  }
0x57: {  	_ =	shalt  }
0x58: {  	_ =	shalt  }
0x59: {  	_ =	shalt  }
0x5a: {  	_ =	shalt  }
0x5b: {  	_ =	shalt  }
0x5c: {  	_ =	shalt  }
0x5d: {  	_ =	shalt  }
0x5e: {  	_ =	shalt  }
0x5f: {  	_ =	shalt  }
0x60: {  	_ =	shalt  }
0x61: {  	_ =	shalt  }
0x62: {  	_ =	shalt  }
0x63: {  	_ =	shalt  }
0x64: {  	_ =	shalt  }
0x65: {  	_ =	shalt  }
0x66: {  	_ =	shalt  }
0x67: {  	_ =	shalt  }
0x68: {  	_ =	shalt  }
0x69: {  	_ =	shalt  }
0x6a: {  	_ =	shalt  }
0x6b: {  	_ =	shalt  }
0x6c: {  	_ =	shalt  }
0x6d: {  	_ =	shalt  }
0x6e: {  	_ =	shalt  }
0x6f: {  	_ =	shalt  }
0x70: {  	_ =	shalt  }
0x71: {  	_ =	shalt  }
0x72: {  	_ =	shalt  }
0x73: {  	_ =	shalt  }
0x74: {  	_ =	shalt  }
0x75: {  	_ =	shalt  }
0x76: {  	_ =	shalt  }
0x77: {  	_ =	shalt  }
0x78: {  	_ =	shalt  }
0x79: {  	_ =	shalt  }
0x7a: {  	_ =	shalt  }
0x7b: {  	_ =	shalt  }
0x7c: {  	_ =	shalt  }
0x7d: {  	_ =	shalt  }
0x7e: {  	_ =	shalt  }
0x7f: {  	_ =	shalt  }
0x80: {  	_ =	shalt  }
0x81: {  	_ =	shalt  }
0x82: {  	_ =	shalt  }
0x83: {  	_ =	shalt  }
0x84: {  	_ =	shalt  }
0x85: {  	_ =	shalt  }
0x86: {  	_ =	shalt  }
0x87: {  	_ =	shalt  }
.Lfunc_end0:
.L_simem_size_0:
called_computation.2_lowered:
.L_overlay_start_0:
0x88: {  	s2 =	sld [smem:$0x3FD9]  }
0x89: {  	s3 =	sld [smem:$0x3FFE];
	_ =	sdelay $0x1  }
0x8a: {  	s1 =	srdreg.scid  }
0x8b: {  	s0 =	sand.u32 $0x1, s1  }
0x8c: {  	s14 =	sshll.u32 s0, $0xA;
	s2 =	sadd.s32 s3, s2  }
0x8d: {  	s2 =	sadd.s32 s2, s14  }
0x8e: {  	[smem:$0x3FB3] =	sst s2  }
0x8f: {  	_ = 	snop  }
0x90: {  	s2 =	sld [smem:$0x3FD0];
	_ =	sdelay $0x2  }
0x91: {  	s15 =	simm.s32 $0xA;
	s4 =	simm.s32 $0x10  }
0x92: {  	[smem:s4], [sflag:s15] =	dma.local [hbm:s2], $0x1  }
0x93: {  	_ =	swait.eq [sflag:s15], $0x1  }
0x94: {  	[sflag:s15] =	ssyncset.done $0x0  }
0x95: {  	s16 =	sld [smem:$0x10];
	[sflag:s15] =	ssyncadd.s32 $0xFFFFFFFF  }
0x96: {  	s17 =	sld [smem:$0x11];
	(tm) =	ssettm $0x1  }
0x97: {  	s18 =	sld [smem:$0x3FFB];
	_ =	sdelay $0x3  }
0x98: {  	_ =	strace s18  }
0x99: {  	s4 =	sld [smem:$0x3FFC];
	_ =	sdelay $0x3  }
0x9a: {  	_ =	strace s4  }
0x9b: {  	s4 =	sld [smem:$0x3FFD];
	_ =	sdelay $0x3  }
0x9c: {  	_ =	strace s4  }
0x9d: {  	_ =	strace $0x8FFFFFFF  }
0x9e: {  	s19 =	sld [smem:$0x3FDB];
	_ =	sdelay $0x1  }
0x9f: {  	s5 =	simm.s32 $_scs_section_size  }
0xa0: {  	s6 =	simm.s32 $_size__tile_overlayer_lowered;
	s7 =	simm.s32 $_tile_overlayer_lowered  }
0xa1: {  	s22 =	simm.s32 $0x1BFF;
	s21 =	sshll.u32 s7, $0x1;
	s4 =	sadd.s32 s5, s19  }
0xa2: {  	s8 =	simm.s32 $0x0;
	s20 =	sshll.u32 s6, $0x1;
	s6 =	sadd.s32 s21, s4  }
0xa3: {  	[timem:s8], [sflag:s22] =	dma.local [hbm:s6], s20  }
0xa4: {  	_ =	swait.ge [sflag:s22], s20  }
0xa5: {  	s5 =	ssub.s32 $0x0, s20;
	[sflag:s22] =	ssyncset.done $0x0  }
0xa6: {  	[sflag:s22] =	ssyncadd.s32 s5;
	_ =	sdelay $0x1  }
0xa7: {  	s23 =	simm.s32 $0x1B8B  }
0xa8: {  	_ =	swait.ge [sflag:s23], $0x1  }
0xa9: {  	[sflag:s23] =	ssyncset.done $0x0  }
0xaa: {  	s25 =	simm.s32 $0x1B8E;
	s24 =	sld [smem:$0x3FFE];
	[sflag:s23] =	ssyncadd.s32 $0xFFFFFFFF  }
0xab: {  	s26 =	simm.s32 $execute0_lowered;
	[smem:$0x3FD2] =	sst s25  }
0xac: {  	s6 =	sshll.u32 s26, $0x1;
	_ =	strace $0x8000004C;
	[dreg:$0x1] =	wrdreg $0xFFFFFFFF  }
0xad: {  	s28 =	simm.s32 $_size_execute0_lowered;
	s4 =	sadd.s32 s4, s6;
	[dreg:$0x0] =	wrdreg $0x0  }
0xae: {  	s6 =	sshll.u32 s28, $0x1;
	[dreg:$0x2] =	wrdreg s4  }
0xaf: {  	[dreg:$0x3] =	wrdreg s6  }
0xb0: {  	[dreg:$0x4] =	wrdreg $0xC0  }
0xb1: {  	_ =	task [dreg:s8], $0x5FFFF  }
0xb2: {  	[dreg:$0x1] =	wrdreg $0xFFFFFFFF  }
0xb3: {  	[dreg:$0x0] =	wrdreg $0x60  }
0xb4: {  	[dreg:$0x2] =	wrdreg s24  }
0xb5: {  	[dreg:$0x3] =	wrdreg s17  }
0xb6: {  	[dreg:$0x4] =	wrdreg s16  }
0xb7: {  	[dreg:$0x5] =	wrdreg $0x82000  }
0xb8: {  	[dreg:$0x6] =	wrdreg $0x9  }
0xb9: {  	_ =	task.clear_ibuf [dreg:s8], $0x7FFFF;
	_ =	strace $0x9000004C  }
0xba: {  	s29 =	simm.s32 $0x9;
	_ =	strace $0x8000004E  }
0xbb: {  	_ =	swait.ge [sflag:s29], $0x1  }
0xbc: {  	[sflag:s29] =	ssyncadd.s32 $0xFFFFFFFF  }
0xbd: {  	_ =	strace $0x9000004E  }
0xbe: {  	_ =	sfence  }
0xbf: {  	s30 =	sld [smem:$0x0];
	_ =	sdelay $0x2  }
0xc0: {  	s31 =	sshll.u32 s1, $0xD;
	s1 =	sshrl.u32 s1, $0x2  }
0xc1: {  	s3 =	sand.u32 $0x4000, s31;
	s1 =	sadd.s32 s1, s30  }
0xc2: {  	s0 =	sor.u32 s3, s0;
	s1 =	sshll.u32 s1, $0x11  }
0xc3: {  	s0 =	sor.u32 s1, s0  }
0xc4: {  	s0 =	sadd.s32 $0x8F2B, s0  }
0xc5: {  	[sflag:s0] =	ssyncadd.remote.s32 $0x1  }
0xc6: {  	_ =	sfence.sel $0xFFFF  }
0xc7: {  	[dreg:$0x0] =	wrdreg $0xFFFFFFFF;
	(pc) =	sbr.abs _section_cstart, $3  }
0xc8: {  	[dreg:$0x1] =	wrdreg $0xFFFFFFFF  }
0xc9: {  	_ =	task.clear_ibuf [dreg:s8], $0x2FFFF;
	_ =	strace $0x9FFFFFFF  }
0xca: {  	(tm) =	ssettm $0x7FFFFFFF  }
0xcb: {  	_ =	shalt  }
tec
execute0_lowered:
.L_overlay_start_1:
0x0: {  	(tag) =	ssettag $0x1  }
0x1: {  	s0 =	rddreg [dreg:$0x0]  }
0x2: {  	s1 =	rddreg [dreg:$0x1]  }
0x3: {  	s2 =	rddreg [dreg:$0x3];
	s3 =	srdreg.scid  }
0x4: {  	s4 =	simm.s32 $0x0;
	s12 =	stileid.u32;
	s28 =	simm.s32 $0x4200  }
0x5: {  	s29 =	simm.s32 $0x1;
	s30 =	simm.s32 $0x3;
	s7 =	smul.u32 $0x13C00, s12  }
0x6: {  	s31 =	simm.s32 $0x2;
	s3 =	sand.u32 $0x1, s3;
	s8 =	smul.u32 $0x3900, s12  }
0x7: {  	[smem:$0x7FF] =	sst s4;
	s5 =	sadd.s32 $0xD400, s0;
	s11 =	smul.u32 $0x1700, s12  }
0x8: {  	s9 =	sadd.s32 $0x3400, s0;
	s13 =	smul.u32 $0x4F000, s12;
	s15 =	sshll.u32 s12, $0x6  }
0x9: {  	s6 =	smul.u32 $0x13C000, s3;
	_ =	strace $0x8000004D;
	s26 =	ssub.s32 $0x2, s3  }
0xa: {  	p0 =	seq.s32 s3, $0x0;
	s10 =	sshrl.u32 s26, $0x1;
	s3 =	sadd.s32 $0x39000, s11  }
0xb: {  	s14 =	sshrl.u32 s13, $0x2;
	s6 =	sadd.s32 s7, s6;
	s7 =	ssub.s32 s26, s10  }
0xc: {  	s3 =	smov.u32 @p0 s8;
	s8 =	sadd.s32 s14, s2;
	s6 =	sshrl.u32 s6, $0x3  }
0xd: {  	[dreg:$0x6] =	wrdreg s8;
	s3 =	sshrl.u32 s3, $0x3;
	s8 =	sor.u32 $0x1C03, s15  }
0xe: {  	s14 =	smax.u32 s7, $0x1;
	s0 =	sadd.s32 s6, s0;
	s6 =	simm.s32 $0x72  }
0xf: {  	s16 =	sadd.s32 s1, s3;
	s17 =	sor.u32 $0x10, s3;
	s18 =	sadd.s32 s9, s3  }
0x10: {  	s21 =	sadd.s32 $0x50, s3;
	s24 =	sadd.s32 $0x40, s3;
	s26 =	sadd.s32 $0x20, s3  }
0x11: {  	s3 =	sadd.s32 $0x30, s3;
	s6 =	simm.s32 @!p0 $0x2E;
	[dreg:$0x7] =	wrdreg s16  }
0x12: {  	[dreg:$0x8] =	wrdreg s18;
	s19 =	sadd.s32 s1, s17;
	s10 =	sadd.s32 s9, s17  }
0x13: {  	s0 =	sadd.s32 $0x34C00, s0;
	s22 =	sadd.s32 s21, s9;
	s23 =	sadd.s32 s21, s1  }
0x14: {  	s25 =	sadd.s32 s24, s9;
	s7 =	sadd.s32 s24, s1;
	[dreg:$0x9] =	wrdreg s19  }
0x15: {  	s21 =	sadd.s32 s3, s9;
	s24 =	simm.s32 $0x80;
	[dreg:$0xa] =	wrdreg s10  }
0x16: {  	[dreg:$0xb] =	wrdreg s0;
	s20 =	sshll.u32 s6, $0x4;
	s16 =	sadd.s32 $0xFFFFFFE0, s22  }
0x17: {  	s17 =	sadd.s32 $0xFFFFFFE0, s23;
	s18 =	sadd.s32 $0xFFFFFFE0, s25;
	s19 =	sadd.s32 $0xFFFFFFE0, s7  }
0x18: {  	s0 =	sadd.s32 s26, s1;
	s22 =	sadd.s32 s3, s1;
	s23 =	simm.s32 $0x100  }
0x19: {  	s25 =	simm.s32 $0x200;
	s15 =	sadd.s32 $0xFFFFFFE0, s20;
	s20 =	sadd.s32 s26, s9  }
0x1a: {  	[dreg:$0x5] =	wrdreg s0;
	s26 =	simm.s32 $0x180;
	s0 =	simm.s32 $0x0  }
.LBB2_1:
0x1b: {  	s1 =	rddreg [dreg:$0x6]  }
0x1c: {  	s9 =	rddreg [dreg:$0x2];
	s3 =	sshrl.u32 s1, $0x3  }
0x1d: {  	[spmem:s3], [sflag:s8] =	dma.local [hbm:s9], $0x2780  }
0x1e: {  	_ =	swait.ge [sflag:s30], $0x2780  }
0x1f: {  	[sflag:s30] =	ssyncset.done $0x0  }
0x20: {  	[sflag:s30] =	ssyncadd.s32 $0xFFFFD880  }
0x21: {  	[bflag:$0x0] =	sbarrier.arrive $0xFFFF  }
0x22: {  	s10 =	rddreg [dreg:$0x7]  }
0x23: {  	[tilespmem:s4], [sflag:$0x3] =	stream.linear.gather [hbm4b:s10+s4], $0x80, $0x38;
	[tilespmem:$0x1BE00] =	vst v63  }
0x24: {  	_ =	swait.ge [sflag:s30], $0x80  }
0x25: {  	[sflag:s30] =	ssyncset.done $0x0  }
0x26: {  	s11 =	rddreg [dreg:$0x8];
	[sflag:s30] =	ssyncadd.s32 $0xFFFFFF80  }
0x27: {  	[tilespmem:s23], [sflag:$0x3] =	stream.linear.gather [hbm4b:s11+s4], $0x80, $0x38;
	[tilespmem:$0x1BE00] =	vst v63  }
0x28: {  	_ =	swait.ge [sflag:s30], $0x80  }
0x29: {  	[sflag:s30] =	ssyncset.done $0x0  }
0x2a: {  	[sflag:s30] =	ssyncadd.s32 $0xFFFFFF80  }
0x2b: {  	[tilespmem:s25], [sflag:$0x1] =	stream.indirect.gather [hbm4b:s5+s24], $0x80, s4, s24, $0xb8;
	[tilespmem:$0x1BE00] =	vst v63  }
0x2c: {  	s12 =	rddreg [dreg:$0x9]  }
0x2d: {  	[tilespmem:s24], [sflag:$0x3] =	stream.linear.gather [hbm4b:s12+s4], $0x80, $0x38;
	[tilespmem:$0x1BE00] =	vst v63  }
0x2e: {  	_ =	swait.ge [sflag:s30], $0x80  }
0x2f: {  	[sflag:s30] =	ssyncset.done $0x0  }
0x30: {  	s13 =	rddreg [dreg:$0xa];
	[sflag:s30] =	ssyncadd.s32 $0xFFFFFF80  }
0x31: {  	[tilespmem:s26], [sflag:$0x3] =	stream.linear.gather [hbm4b:s13+s4], $0x80, $0x38;
	[tilespmem:$0x1BE00] =	vst v63  }
0x32: {  	_ =	swait.ge [sflag:s30], $0x80  }
0x33: {  	[sflag:s30] =	ssyncset.done $0x0  }
0x34: {  	[sflag:s30] =	ssyncadd.s32 $0xFFFFFF80  }
0x35: {  	[tilespmem:s28], [sflag:$0x2] =	stream.indirect.gather [hbm4b:s5+s24], $0x80, s24, s24, $0xb8;
	[tilespmem:$0x1BE00] =	vst v63  }
0x36: {  	_ =	swait.ge [sflag:s29], $0x4000  }
0x37: {  	[sflag:s29] =	ssyncset.done $0x0  }
0x38: {  	[sflag:s29] =	ssyncadd.s32 $0xFFFFC000  }
0x39: {  	[spmem:s2] =	stream.indirect.scatter.add.f32 [tilespmem:s25], [sflag:$0x3], $0x80, s23, s24, $0xb8;
	[tilespmem:$0x1BE00] =	vst v63  }
0x3a: {  	p0 =	sle.u32 s6, $0x2;
	_ =	swait.ge [sflag:s30], $0x4000  }
0x3b: {  	s7 =	simm.s32 @!p0 $0x0;
	s1 =	rddreg [dreg:$0x5];
	[sflag:s30] =	ssyncset.done $0x0  }
0x3c: {  	s9 =	simm.s32 @!p0 $0x3;
	[sflag:s30] =	ssyncadd.s32 $0xFFFFC000;
	s1 =	sadd.s32 @!p0 $0x0, s1  }
0x3d: {  	[tilespmem:s7], [sflag:$0x3] =	stream.linear.gather @!p0 [hbm4b:s1+s7], $0x80, $0x38;
	[tilespmem:$0x1BE00] =	vst v63  }
0x3e: {  	_ =	swait.ge @!p0 [sflag:s9], $0x80  }
0x3f: {  	[sflag:s9] =	ssyncset.done @!p0 $0x0  }
0x40: {  	s10 =	simm.s32 @!p0 $0x100;
	s1 =	sadd.s32 @!p0 $0x0, s20;
	[sflag:s9] =	ssyncadd.s32 @!p0 $0xFFFFFF80  }
0x41: {  	[tilespmem:s10], [sflag:$0x3] =	stream.linear.gather @!p0 [hbm4b:s1+s7], $0x80, $0x38;
	[tilespmem:$0x1BE00] =	vst v63  }
0x42: {  	_ =	swait.ge @!p0 [sflag:s9], $0x80  }
0x43: {  	[sflag:s9] =	ssyncset.done @!p0 $0x0  }
0x44: {  	s1 =	simm.s32 @!p0 $0x80;
	s10 =	simm.s32 @!p0 $0x200;
	[sflag:s9] =	ssyncadd.s32 @!p0 $0xFFFFFF80  }
0x45: {  	[tilespmem:s10], [sflag:$0x1] =	stream.indirect.gather @!p0 [hbm4b:s5+s1], $0x80, s7, s1, $0xb8;
	[tilespmem:$0x1BE00] =	vst v63  }
0x46: {  	_ =	swait.ge [sflag:s31], $0x4000  }
0x47: {  	[sflag:s31] =	ssyncset.done $0x0  }
0x48: {  	[sflag:s31] =	ssyncadd.s32 $0xFFFFC000  }
0x49: {  	[spmem:s2] =	stream.indirect.scatter.add.f32 [tilespmem:s28], [sflag:$0x3], $0x80, s26, s24, $0xb8;
	[tilespmem:$0x1BE00] =	vst v63  }
0x4a: {  	p1 =	sle.u32 s6, $0x3;
	_ =	swait.ge [sflag:s30], $0x4000  }
0x4b: {  	s11 =	simm.s32 @!p1 $0x3;
	s1 =	sadd.s32 @!p1 $0x0, s22;
	[sflag:s30] =	ssyncset.done $0x0  }
0x4c: {  	s10 =	simm.s32 @!p1 $0x80;
	s7 =	simm.s32 @!p1 $0x0;
	[sflag:s30] =	ssyncadd.s32 $0xFFFFC000  }
0x4d: {  	[tilespmem:s10], [sflag:$0x3] =	stream.linear.gather @!p1 [hbm4b:s1+s7], $0x80, $0x38;
	[tilespmem:$0x1BE00] =	vst v63  }
0x4e: {  	p0 =	sne.s32 s15, $0x20;
	_ =	swait.ge @!p1 [sflag:s11], $0x80  }
.Ltmp0:
0x4f: {  	[sflag:s11] =	ssyncset.done @!p1 $0x0;
	(pc) =	sbr.rel @!p0 .LBB2_3-.Ltmp0, $4  }
0x50: {  	s9 =	sadd.s32 @!p1 $0x0, s21;
	s1 =	simm.s32 @!p1 $0x180;
	[sflag:s11] =	ssyncadd.s32 @!p1 $0xFFFFFF80  }
0x51: {  	[tilespmem:s1], [sflag:$0x3] =	stream.linear.gather @!p1 [hbm4b:s9+s7], $0x80, $0x38;
	[tilespmem:$0x1BE00] =	vst v63  }
0x52: {  	s12 =	simm.s32 @!p1 $0x4200;
	_ =	swait.ge @!p1 [sflag:s11], $0x80  }
0x53: {  	s1 =	simm.s32 $0x20;
	s7 =	simm.s32 $0x3;
	[sflag:s11] =	ssyncset.done @!p1 $0x0  }
.LBB2_2:
0x54: {  	[sflag:s11] =	ssyncadd.s32 @!p1 $0xFFFFFF80  }
0x55: {  	[tilespmem:s12], [sflag:$0x2] =	stream.indirect.gather @!p1 [hbm4b:s5+s10], $0x80, s10, s10, $0xb8;
	[tilespmem:$0x1BE00] =	vst v63  }
0x56: {  	_ =	swait.ge [sflag:s29], $0x4000  }
0x57: {  	s7 =	sadd.s32 $0x2, s7;
	[sflag:s29] =	ssyncset.done $0x0  }
0x58: {  	s13 =	sadd.s32 $0xFFFFFFFF, s7;
	[sflag:s29] =	ssyncadd.s32 $0xFFFFC000  }
0x59: {  	[spmem:s2] =	stream.indirect.scatter.add.f32 [tilespmem:s25], [sflag:$0x3], $0x80, s23, s24, $0xb8;
	[tilespmem:$0x1BE00] =	vst v63  }
0x5a: {  	s9 =	smov.u32 s1;
	p1 =	sge.u32 s13, s6;
	_ =	swait.ge [sflag:s30], $0x4000  }
0x5b: {  	s10 =	simm.s32 @!p1 $0x0;
	s11 =	rddreg [dreg:$0x5];
	[sflag:s30] =	ssyncset.done $0x0  }
0x5c: {  	s12 =	simm.s32 @!p1 $0x3;
	[sflag:s30] =	ssyncadd.s32 $0xFFFFC000;
	s11 =	sadd.s32 @!p1 s9, s11  }
0x5d: {  	[tilespmem:s10], [sflag:$0x3] =	stream.linear.gather @!p1 [hbm4b:s11+s10], $0x80, $0x38;
	[tilespmem:$0x1BE00] =	vst v63  }
0x5e: {  	_ =	swait.ge @!p1 [sflag:s12], $0x80  }
0x5f: {  	[sflag:s12] =	ssyncset.done @!p1 $0x0  }
0x60: {  	s13 =	simm.s32 @!p1 $0x100;
	s11 =	sadd.s32 @!p1 s9, s20;
	[sflag:s12] =	ssyncadd.s32 @!p1 $0xFFFFFF80  }
0x61: {  	[tilespmem:s13], [sflag:$0x3] =	stream.linear.gather @!p1 [hbm4b:s11+s10], $0x80, $0x38;
	[tilespmem:$0x1BE00] =	vst v63  }
0x62: {  	_ =	swait.ge @!p1 [sflag:s12], $0x80  }
0x63: {  	[sflag:s12] =	ssyncset.done @!p1 $0x0  }
0x64: {  	s11 =	simm.s32 @!p1 $0x80;
	s13 =	simm.s32 @!p1 $0x200;
	[sflag:s12] =	ssyncadd.s32 @!p1 $0xFFFFFF80  }
0x65: {  	[tilespmem:s13], [sflag:$0x1] =	stream.indirect.gather @!p1 [hbm4b:s5+s11], $0x80, s10, s11, $0xb8;
	[tilespmem:$0x1BE00] =	vst v63  }
0x66: {  	_ =	swait.ge [sflag:s31], $0x4000  }
0x67: {  	[sflag:s31] =	ssyncset.done $0x0  }
0x68: {  	[sflag:s31] =	ssyncadd.s32 $0xFFFFC000  }
0x69: {  	[spmem:s2] =	stream.indirect.scatter.add.f32 [tilespmem:s28], [sflag:$0x3], $0x80, s26, s24, $0xb8;
	[tilespmem:$0x1BE00] =	vst v63  }
0x6a: {  	s1 =	sadd.s32 $0x20, s1;
	p1 =	sge.u32 s7, s6;
	_ =	swait.ge [sflag:s30], $0x4000  }
0x6b: {  	s12 =	sadd.s32 @!p1 s9, s22;
	s10 =	simm.s32 @!p1 $0x80;
	[sflag:s30] =	ssyncset.done $0x0  }
0x6c: {  	s13 =	simm.s32 @!p1 $0x0;
	s11 =	simm.s32 @!p1 $0x3;
	[sflag:s30] =	ssyncadd.s32 $0xFFFFC000  }
0x6d: {  	[tilespmem:s10], [sflag:$0x3] =	stream.linear.gather @!p1 [hbm4b:s12+s13], $0x80, $0x38;
	[tilespmem:$0x1BE00] =	vst v63  }
0x6e: {  	p0 =	sne.s32 s15, s1;
	_ =	swait.ge @!p1 [sflag:s11], $0x80  }
.Ltmp1:
0x6f: {  	[sflag:s11] =	ssyncset.done @!p1 $0x0;
	(pc) =	sbr.rel @p0 .LBB2_2-.Ltmp1, $4  }
0x70: {  	s9 =	sadd.s32 @!p1 s9, s21;
	s12 =	simm.s32 @!p1 $0x180;
	[sflag:s11] =	ssyncadd.s32 @!p1 $0xFFFFFF80  }
0x71: {  	[tilespmem:s12], [sflag:$0x3] =	stream.linear.gather @!p1 [hbm4b:s9+s13], $0x80, $0x38;
	[tilespmem:$0x1BE00] =	vst v63  }
0x72: {  	_ =	swait.ge @!p1 [sflag:s11], $0x80  }
0x73: {  	s12 =	simm.s32 @!p1 $0x4200;
	[sflag:s11] =	ssyncset.done @!p1 $0x0  }
.LBB2_3:
0x74: {  	[sflag:s11] =	ssyncadd.s32 @!p1 $0xFFFFFF80  }
0x75: {  	[tilespmem:s12], [sflag:$0x2] =	stream.indirect.gather @!p1 [hbm4b:s5+s10], $0x80, s10, s10, $0xb8;
	[tilespmem:$0x1BE00] =	vst v63  }
0x76: {  	_ =	swait.ge [sflag:s29], $0x4000  }
0x77: {  	[sflag:s29] =	ssyncset.done $0x0  }
0x78: {  	s7 =	sadd.s32 $0x2, s7;
	[sflag:s29] =	ssyncadd.s32 $0xFFFFC000  }
0x79: {  	[spmem:s2] =	stream.indirect.scatter.add.f32 [tilespmem:s25], [sflag:$0x3], $0x80, s23, s24, $0xb8;
	[tilespmem:$0x1BE00] =	vst v63  }
0x7a: {  	s9 =	sadd.s32 $0xFFFFFFFF, s7;
	_ =	swait.ge [sflag:s30], $0x4000  }
0x7b: {  	p0 =	sge.u32 s9, s6;
	[sflag:s30] =	ssyncset.done $0x0  }
0x7c: {  	s9 =	sadd.s32 @!p0 s1, s19;
	s10 =	simm.s32 @!p0 $0x0;
	[sflag:s30] =	ssyncadd.s32 $0xFFFFC000  }
0x7d: {  	[tilespmem:s10], [sflag:$0x3] =	stream.linear.gather @!p0 [hbm4b:s9+s10], $0x80, $0x38;
	[tilespmem:$0x1BE00] =	vst v63  }
0x7e: {  	s9 =	simm.s32 @!p0 $0x3  }
0x7f: {  	_ =	swait.ge @!p0 [sflag:s9], $0x80  }
0x80: {  	[sflag:s9] =	ssyncset.done @!p0 $0x0  }
0x81: {  	s11 =	sadd.s32 @!p0 s1, s18;
	s12 =	simm.s32 @!p0 $0x100;
	[sflag:s9] =	ssyncadd.s32 @!p0 $0xFFFFFF80  }
0x82: {  	[tilespmem:s12], [sflag:$0x3] =	stream.linear.gather @!p0 [hbm4b:s11+s10], $0x80, $0x38;
	[tilespmem:$0x1BE00] =	vst v63  }
0x83: {  	_ =	swait.ge @!p0 [sflag:s9], $0x80  }
0x84: {  	[sflag:s9] =	ssyncset.done @!p0 $0x0  }
0x85: {  	s11 =	simm.s32 @!p0 $0x200;
	[sflag:s9] =	ssyncadd.s32 @!p0 $0xFFFFFF80;
	s9 =	simm.s32 @!p0 $0x80  }
0x86: {  	[tilespmem:s11], [sflag:$0x1] =	stream.indirect.gather @!p0 [hbm4b:s5+s9], $0x80, s10, s9, $0xb8;
	[tilespmem:$0x1BE00] =	vst v63  }
0x87: {  	_ =	swait.ge [sflag:s31], $0x4000  }
0x88: {  	[sflag:s31] =	ssyncset.done $0x0  }
0x89: {  	[sflag:s31] =	ssyncadd.s32 $0xFFFFC000  }
0x8a: {  	[spmem:s2] =	stream.indirect.scatter.add.f32 [tilespmem:s28], [sflag:$0x3], $0x80, s26, s24, $0xb8;
	[tilespmem:$0x1BE00] =	vst v63  }
0x8b: {  	p0 =	sge.u32 s7, s6;
	_ =	swait.ge [sflag:s30], $0x4000  }
0x8c: {  	s7 =	sadd.s32 @!p0 s1, s17;
	[sflag:s30] =	ssyncset.done $0x0  }
0x8d: {  	s9 =	simm.s32 @!p0 $0x0;
	s10 =	simm.s32 @!p0 $0x80;
	[sflag:s30] =	ssyncadd.s32 $0xFFFFC000  }
0x8e: {  	[tilespmem:s10], [sflag:$0x3] =	stream.linear.gather @!p0 [hbm4b:s7+s9], $0x80, $0x38;
	[tilespmem:$0x1BE00] =	vst v63  }
0x8f: {  	s7 =	simm.s32 @!p0 $0x3  }
0x90: {  	_ =	swait.ge @!p0 [sflag:s7], $0x80  }
0x91: {  	[sflag:s7] =	ssyncset.done @!p0 $0x0  }
0x92: {  	s1 =	sadd.s32 @!p0 s1, s16;
	s11 =	simm.s32 @!p0 $0x180;
	[sflag:s7] =	ssyncadd.s32 @!p0 $0xFFFFFF80  }
0x93: {  	[tilespmem:s11], [sflag:$0x3] =	stream.linear.gather @!p0 [hbm4b:s1+s9], $0x80, $0x38;
	[tilespmem:$0x1BE00] =	vst v63  }
0x94: {  	_ =	swait.ge @!p0 [sflag:s7], $0x80  }
0x95: {  	[sflag:s7] =	ssyncset.done @!p0 $0x0  }
0x96: {  	s0 =	sadd.s32 $0x1, s0;
	s1 =	simm.s32 @!p0 $0x4200;
	[sflag:s7] =	ssyncadd.s32 @!p0 $0xFFFFFF80  }
0x97: {  	[tilespmem:s1], [sflag:$0x2] =	stream.indirect.gather @!p0 [hbm4b:s5+s10], $0x80, s10, s10, $0xb8;
	[tilespmem:$0x1BE00] =	vst v63  }
0x98: {  	p0 =	sne.s32 s0, s14;
	[bflag:$0x0] =	sbarrier.arrive $0xFFFF  }
.Ltmp2:
0x99: {  	s13 =	rddreg [dreg:$0xb];
	(pc) =	sbr.rel @p0 .LBB2_1-.Ltmp2, $4  }
0x9a: {  	[hbm:s13], [sflag:s8] =	dma.local [spmem:s3], $0x2780  }
0x9b: {  	_ =	swait.ge [sflag:s30], $0x2780  }
0x9c: {  	[sflag:s30] =	ssyncset.done $0x0  }
0x9d: {  	[sflag:s30] =	ssyncadd.s32 $0xFFFFD880  }
0x9e: {  	_ =	sfence.sel $0x180000  }
0x9f: {  	[bflag:$0x0] =	sbarrier.arrive $0xFFFF  }
0xa0: {  	_ =	strace $0x9000004D  }
0xa1: {  	s0 =	stileid.u32;
	[bflag:$0x2] =	sbarrier.arrive $0xFFFF  }
0xa2: {  	p0 =	sne.s32 s0, $0x0;
	s0 =	rddreg [dreg:$0x4]  }
0xa3: {  	s0 =	sadd.s32 @!p0 $0x100000, s0  }
0xa4: {  	[sflag:s0] =	ssyncadd.tile.s32 @!p0 $0x1;
	_ =	shalt  }
.Lfunc_end2:
_tile_overlayer_lowered:
.L_overlay_start_2:
0xa5: {  	(tag) =	ssettag $0x2  }
0xa6: {  	s0 =	rddreg [dreg:$0x0];
	s2 =	stileid.u32  }
0xa7: {  	s1 =	rddreg [dreg:$0x1];
	p0 =	sne.s32 s2, $0x0  }
0xa8: {  	s3 =	rddreg [dreg:$0x2];
	[bflag:$0x3] =	sbarrier.arrive $0xFFFF;
	s2 =	simm.s32 @!p0 $0x1C03  }
0xa9: {  	[timem:s3], [sflag:s2] =	dma.local @!p0 [hbm:s0], s1  }
0xaa: {  	s0 =	simm.s32 @!p0 $0x3  }
0xab: {  	_ =	swait.ge @!p0 [sflag:s0], s1  }
0xac: {  	s1 =	ssub.s32 @!p0 $0x0, s1;
	[sflag:s0] =	ssyncset.done @!p0 $0x0  }
0xad: {  	[sflag:s0] =	ssyncadd.s32 @!p0 s1  }
0xae: {  	[bflag:$0x3] =	sbarrier.arrive $0xFFFF  }
0xaf: {  	_ =	shalt  }

</sc_bundles>
